<compile_context>
chip_gen: v7x
topology: tpu7x:2x2x1
jax: 0.10.2.dev20260603
libtpu: 0.0.44.dev20260713+nightly
codegen_flags: <defaults>
</compile_context>

<pallas_src>
import functools

import jax
import jax.numpy as jnp
from jax import lax
from jax.experimental import pallas as pl
from jax.experimental.pallas import tpu as pltpu
from jax.experimental.pallas import tpu_sc as plsc

_B, _N, _M, _D, _K = 1024, 26, 26, 128, 10
_BB = 8
_L = _BB * _N

_NC, _NS = 2, 16
_NW = _NC * _NS
_BPW = _B // _NW


def _dot(a, b):
    return jax.lax.dot(a, b, preferred_element_type=jnp.float32)


def _scores_kernel(f_ref, c_ref, wq_ref, wk_ref, sel_ref, idx_ref):
    wqT = wq_ref[...].T
    wkT = wk_ref[...].T
    f = jnp.concatenate([f_ref[b] for b in range(_BB)], axis=0)
    c = jnp.concatenate([c_ref[b] for b in range(_BB)], axis=0)

    q = _dot(f, wqT)
    k = _dot(c, wkT)
    W = jax.lax.dot_general(
        q, k, (((1,), (1,)), ((), ())),
        preferred_element_type=jnp.float32)

    S = jnp.concatenate(
        [W[_N * b:_N * (b + 1), _M * b:_M * (b + 1)] for b in range(_BB)],
        axis=0)

    vals = []
    wcur = S
    for _ in range(_K):
        mx = jnp.max(wcur, axis=1, keepdims=True)
        vals.append(mx)
        wcur = jnp.where(wcur == mx, -jnp.inf, wcur)

    exps = [jnp.exp(v - vals[0]) for v in vals]
    inv = 1.0 / sum(exps)

    row_iota = jax.lax.broadcasted_iota(jnp.int32, (_L, _L), 0)
    l_iota = jax.lax.broadcasted_iota(jnp.int32, (_L, _L), 1)
    Wm = jnp.where(row_iota // _N == l_iota // _M, W, -jnp.inf)
    l_iota_f = l_iota.astype(jnp.float32)
    goff = pl.program_id(0) * _L
    for kk in range(_K):
        hit = Wm == vals[kk]
        sel_ref[:, pl.ds(kk, 1)] = exps[kk] * inv
        col = jnp.sum(jnp.where(hit, l_iota_f, 0.0), axis=1, keepdims=True)
        idx_ref[:, pl.ds(kk, 1)] = col.astype(jnp.int32) + goff


def _tc_scores(featureVec, contextVec, Wq, Wk):
    return pl.pallas_call(
        _scores_kernel,
        grid=(_B // _BB,),
        in_specs=[
            pl.BlockSpec((_BB, _N, _D), lambda i: (i, 0, 0)),
            pl.BlockSpec((_BB, _M, _D), lambda i: (i, 0, 0)),
            pl.BlockSpec((_D, _D), lambda i: (0, 0)),
            pl.BlockSpec((_D, _D), lambda i: (0, 0)),
        ],
        out_specs=[
            pl.BlockSpec((_L, _K), lambda i: (i, 0)),
            pl.BlockSpec((_L, _K), lambda i: (i, 0)),
        ],
        out_shape=[
            jax.ShapeDtypeStruct((_B * _N, _K), jnp.float32),
            jax.ShapeDtypeStruct((_B * _N, _K), jnp.int32),
        ],
    )(featureVec, contextVec, Wq, Wk)


def _sc_assemble(f3, c2, selr, idxr):
    mesh = plsc.VectorSubcoreMesh(core_axis_name="c", subcore_axis_name="s")
    chunks = [(0, 128), (128, 128), (256, 4)]

    @functools.partial(
        pl.kernel, mesh=mesh,
        out_type=jax.ShapeDtypeStruct((_B, _N * _K, _D), jnp.float32),
        scratch_types=[
            pltpu.VMEM((_N * _K,), jnp.int32),
            pltpu.VMEM((_N * _K, 1), jnp.float32),
            pltpu.VMEM((_N, _D), jnp.float32),
            pltpu.VMEM((_N * _K, _D), jnp.float32),
            pltpu.VMEM((_N * _K, _D), jnp.float32),
            pltpu.SemaphoreType.DMA,
        ],
    )
    def k(f_hbm, c_hbm, sel_hbm, idx_hbm, out_hbm,
          idx_v, sel_v, f_v, rows_v, out_v, sem):
        wid = lax.axis_index("s") * _NC + lax.axis_index("c")

        @pl.loop(0, _BPW)
        def _(j):
            b = wid * _BPW + j
            pltpu.sync_copy(idx_hbm.at[b], idx_v)
            pltpu.sync_copy(sel_hbm.at[b], sel_v)
            pltpu.sync_copy(f_hbm.at[b], f_v)
            copies = [
                pltpu.async_copy(
                    c_hbm.at[idx_v.at[pl.ds(off, sz)]],
                    rows_v.at[pl.ds(off, sz)], sem)
                for off, sz in chunks
            ]
            for cp in copies:
                cp.wait()

            @pl.loop(0, _N)
            def _(n):
                ro = rows_v.at[pl.ds(n * _K, _K)][...]
                se = sel_v.at[pl.ds(n * _K, _K)][...]
                fr = f_v.at[pl.ds(n, 1)][...]
                out_v.at[pl.ds(n * _K, _K)][...] = ro * se * fr

            pltpu.sync_copy(out_v, out_hbm.at[b])

    return k(f3, c2, selr, idxr)


def kernel(featureVec, contextVec, Wq, Wk):
    sel2, idx2 = _tc_scores(featureVec, contextVec, Wq, Wk)
    c2 = contextVec.reshape(_B * _M, _D)
    selr = sel2.reshape(_B, _N * _K, 1)
    idxr = idx2.reshape(_B, _N * _K)
    return _sc_assemble(featureVec, c2, selr, idxr)

# --- scband reference (transcript-rebuilt; emitter-appended) ---
"""Pipeline reference for scband-sparse-attention-layer-72378788873002 (READ-ONLY COPY).

The authoritative reference and input builder live on the scoring server;
editing this copy changes nothing except your own understanding.
"""

import jax, jax.numpy as jnp
import numpy as np

B, N, M, D, K = 1024, 26, 26, 128, 10

def setup_inputs(seed: int = 0) -> dict:
    key = jax.random.key(seed)
    k1, k2, k3, k4 = jax.random.split(key, 4)
    featureVec = jax.random.normal(k1, (B, N, D), dtype=jnp.float32)
    contextVec = jax.random.normal(k2, (B, M, D), dtype=jnp.float32)
    # nn.Linear(D, D, bias=False) weights, applied as x @ W.T
    Wq = jax.random.normal(k3, (D, D), dtype=jnp.float32) * (1.0 / np.sqrt(D))
    Wk = jax.random.normal(k4, (D, D), dtype=jnp.float32) * (1.0 / np.sqrt(D))
    return {"featureVec": featureVec, "contextVec": contextVec, "Wq": Wq, "Wk": Wk}

def reference(featureVec, contextVec, Wq, Wk):
    # query/key linear transforms (torch nn.Linear: x @ W.T)
    query = jnp.einsum('bnd,ed->bne', featureVec, Wq)
    key = jnp.einsum('bmd,ed->bme', contextVec, Wk)
    # outer-product value tensor [B, N, M, D]
    value = featureVec[:, :, None, :] * contextVec[:, None, :, :]
    # DotWeight: dot-product attention scores [B, N, M]
    weight = jnp.einsum('bnd,bmd->bnm', query, key)
    # top-k over context dim
    topk_vals, idx = jax.lax.top_k(weight, K)
    topk_vals = jax.nn.softmax(topk_vals, axis=-1)
    # gather value rows at top-k indices: [B, N, K, D]
    idx_e = jnp.broadcast_to(idx[..., None], (B, N, K, D))
    out = jnp.take_along_axis(value, idx_e, axis=2)
    out = topk_vals[..., None] * out
    return out.reshape(B, N * K, D)

if __name__ == "__main__":
    import jax
    _d = setup_inputs()
    print(jax.jit(kernel)(*tuple(_d.values())))

</pallas_src>

<mosaic_0001>
#map = affine_map<(d0, d1) -> (0, 0, 0)>
#map1 = affine_map<(d0, d1) -> (0, 0)>
module attributes {stable_mosaic.version = 14 : i64} {
  func.func @k(%arg0: i32, %arg1: i32, %arg2: memref<1024x26x128xf32, #tpu.memory_space<hbm>>, %arg3: memref<26624x128xf32, #tpu.memory_space<hbm>>, %arg4: memref<1024x260x1xf32, #tpu.memory_space<hbm>>, %arg5: memref<1024x260xi32, #tpu.memory_space<hbm>>, %arg6: memref<1024x260x128xf32, #tpu.memory_space<hbm>>, %arg7: memref<260xi32, #tpu.memory_space<vmem>>, %arg8: memref<260x1xf32, #tpu.memory_space<vmem>>, %arg9: memref<26x128xf32, #tpu.memory_space<vmem>>, %arg10: memref<260x128xf32, #tpu.memory_space<vmem>>, %arg11: memref<260x128xf32, #tpu.memory_space<vmem>>, %arg12: memref<!tpu.dma_semaphore, #tpu.memory_space<semaphore_mem>>) attributes {dimension_semantics = [#tpu.dimension_semantics<core_parallel>, #tpu.dimension_semantics<subcore_parallel>], iteration_bounds = array<i64: 2, 16>, scalar_prefetch = 0 : i64, scratch_operands = 6 : i64, tpu.core_type = #tpu.core_type<sc_vector_subcore>, window_params = [{transform_indices = #map}, {transform_indices = #map1}, {transform_indices = #map}, {transform_indices = #map1}, {transform_indices = #map}]} {
    %mul3A = arith.constant 2 : i32
    %mul3A_0 = arith.muli %arg1, %mul3A : i32
    %add3A = arith.addi %mul3A_0, %arg0 : i32
    %scan3A = arith.constant 0 : i32
    %scan3A_1 = arith.constant 32 : i32
    %scan3A_2 = arith.addi %scan3A, %scan3A_1 : i32
    %scan3A_3 = arith.constant 1 : i32
    scf.for %scan3A_5 = %scan3A to %scan3A_2 step %scan3A_3  : i32 {
      %mul3A_6 = arith.constant 1 : i32
      %mul3A_7 = arith.muli %scan3A_5, %mul3A_6 : i32
      %add3A_8 = arith.constant 0 : i32
      %add3A_9 = arith.addi %add3A_8, %mul3A_7 : i32
      %mul3A_10 = arith.constant 32 : i32
      %mul3A_11 = arith.muli %add3A, %mul3A_10 : i32
      %add3A_12 = arith.addi %mul3A_11, %add3A_9 : i32
      "tpu.region"() ({
        %run_scoped3A = tpu.sem_alloc : memref<!tpu.dma_semaphore, #tpu.memory_space<semaphore_mem>>
        %dma_start3A_64 = arith.constant 0 : i32
        %dma_start3A_65 = tpu.memref_slice %arg5[%add3A_12, %dma_start3A_64] : memref<1024x260xi32, #tpu.memory_space<hbm>> -> memref<1x260xi32, #tpu.memory_space<hbm>>
        %dma_start3A_66 = tpu.memref_squeeze %dma_start3A_65 : memref<1x260xi32, #tpu.memory_space<hbm>> -> memref<260xi32, #tpu.memory_space<hbm>>
        %dma_start3A_67 = arith.constant 0 : i32
        %dma_start3A_68 = tpu.memref_slice %arg5[%add3A_12, %dma_start3A_67] : memref<1024x260xi32, #tpu.memory_space<hbm>> -> memref<1x260xi32, #tpu.memory_space<hbm>>
        %dma_start3A_69 = tpu.memref_squeeze %dma_start3A_68 : memref<1x260xi32, #tpu.memory_space<hbm>> -> memref<260xi32, #tpu.memory_space<hbm>>
        tpu.enqueue_dma source(%dma_start3A_69 : memref<260xi32, #tpu.memory_space<hbm>>) target(%arg7 : memref<260xi32, #tpu.memory_space<vmem>>) target_semaphore(%run_scoped3A : memref<!tpu.dma_semaphore, #tpu.memory_space<semaphore_mem>>)
        %dma_wait3A_70 = arith.constant 0 : i32
        %dma_wait3A_71 = tpu.memref_slice %arg5[%add3A_12, %dma_wait3A_70] : memref<1024x260xi32, #tpu.memory_space<hbm>> -> memref<1x260xi32, #tpu.memory_space<hbm>>
        %dma_wait3A_72 = tpu.memref_squeeze %dma_wait3A_71 : memref<1x260xi32, #tpu.memory_space<hbm>> -> memref<260xi32, #tpu.memory_space<hbm>>
        %dma_wait3A_73 = arith.constant 0 : i32
        %dma_wait3A_74 = tpu.memref_slice %arg5[%add3A_12, %dma_wait3A_73] : memref<1024x260xi32, #tpu.memory_space<hbm>> -> memref<1x260xi32, #tpu.memory_space<hbm>>
        %dma_wait3A_75 = tpu.memref_squeeze %dma_wait3A_74 : memref<1x260xi32, #tpu.memory_space<hbm>> -> memref<260xi32, #tpu.memory_space<hbm>>
        tpu.wait_dma2 semaphore(%run_scoped3A : memref<!tpu.dma_semaphore, #tpu.memory_space<semaphore_mem>>) src(%dma_wait3A_75 : memref<260xi32, #tpu.memory_space<hbm>>) dst(%arg7 : memref<260xi32, #tpu.memory_space<vmem>>)
        tpu.yield
      }) : () -> ()
      "tpu.region"() ({
        %run_scoped3A = tpu.sem_alloc : memref<!tpu.dma_semaphore, #tpu.memory_space<semaphore_mem>>
        %dma_start3A_64 = arith.constant 0 : i32
        %dma_start3A_65 = arith.constant 0 : i32
        %dma_start3A_66 = tpu.memref_slice %arg4[%add3A_12, %dma_start3A_64, %dma_start3A_65] : memref<1024x260x1xf32, #tpu.memory_space<hbm>> -> memref<1x260x1xf32, #tpu.memory_space<hbm>>
        %dma_start3A_67 = tpu.memref_squeeze %dma_start3A_66 : memref<1x260x1xf32, #tpu.memory_space<hbm>> -> memref<260x1xf32, #tpu.memory_space<hbm>>
        %dma_start3A_68 = arith.constant 0 : i32
        %dma_start3A_69 = arith.constant 0 : i32
        %dma_start3A_70 = tpu.memref_slice %arg4[%add3A_12, %dma_start3A_68, %dma_start3A_69] : memref<1024x260x1xf32, #tpu.memory_space<hbm>> -> memref<1x260x1xf32, #tpu.memory_space<hbm>>
        %dma_start3A_71 = tpu.memref_squeeze %dma_start3A_70 : memref<1x260x1xf32, #tpu.memory_space<hbm>> -> memref<260x1xf32, #tpu.memory_space<hbm>>
        tpu.enqueue_dma source(%dma_start3A_71 : memref<260x1xf32, #tpu.memory_space<hbm>>) target(%arg8 : memref<260x1xf32, #tpu.memory_space<vmem>>) target_semaphore(%run_scoped3A : memref<!tpu.dma_semaphore, #tpu.memory_space<semaphore_mem>>)
        %dma_wait3A_72 = arith.constant 0 : i32
        %dma_wait3A_73 = arith.constant 0 : i32
        %dma_wait3A_74 = tpu.memref_slice %arg4[%add3A_12, %dma_wait3A_72, %dma_wait3A_73] : memref<1024x260x1xf32, #tpu.memory_space<hbm>> -> memref<1x260x1xf32, #tpu.memory_space<hbm>>
        %dma_wait3A_75 = tpu.memref_squeeze %dma_wait3A_74 : memref<1x260x1xf32, #tpu.memory_space<hbm>> -> memref<260x1xf32, #tpu.memory_space<hbm>>
        %dma_wait3A_76 = arith.constant 0 : i32
        %dma_wait3A_77 = arith.constant 0 : i32
        %dma_wait3A_78 = tpu.memref_slice %arg4[%add3A_12, %dma_wait3A_76, %dma_wait3A_77] : memref<1024x260x1xf32, #tpu.memory_space<hbm>> -> memref<1x260x1xf32, #tpu.memory_space<hbm>>
        %dma_wait3A_79 = tpu.memref_squeeze %dma_wait3A_78 : memref<1x260x1xf32, #tpu.memory_space<hbm>> -> memref<260x1xf32, #tpu.memory_space<hbm>>
        tpu.wait_dma2 semaphore(%run_scoped3A : memref<!tpu.dma_semaphore, #tpu.memory_space<semaphore_mem>>) src(%dma_wait3A_79 : memref<260x1xf32, #tpu.memory_space<hbm>>) dst(%arg8 : memref<260x1xf32, #tpu.memory_space<vmem>>)
        tpu.yield
      }) : () -> ()
      "tpu.region"() ({
        %run_scoped3A = tpu.sem_alloc : memref<!tpu.dma_semaphore, #tpu.memory_space<semaphore_mem>>
        %dma_start3A_64 = arith.constant 0 : i32
        %dma_start3A_65 = arith.constant 0 : i32
        %dma_start3A_66 = tpu.memref_slice %arg2[%add3A_12, %dma_start3A_64, %dma_start3A_65] : memref<1024x26x128xf32, #tpu.memory_space<hbm>> -> memref<1x26x128xf32, #tpu.memory_space<hbm>>
        %dma_start3A_67 = tpu.memref_squeeze %dma_start3A_66 : memref<1x26x128xf32, #tpu.memory_space<hbm>> -> memref<26x128xf32, #tpu.memory_space<hbm>>
        %dma_start3A_68 = arith.constant 0 : i32
        %dma_start3A_69 = arith.constant 0 : i32
        %dma_start3A_70 = tpu.memref_slice %arg2[%add3A_12, %dma_start3A_68, %dma_start3A_69] : memref<1024x26x128xf32, #tpu.memory_space<hbm>> -> memref<1x26x128xf32, #tpu.memory_space<hbm>>
        %dma_start3A_71 = tpu.memref_squeeze %dma_start3A_70 : memref<1x26x128xf32, #tpu.memory_space<hbm>> -> memref<26x128xf32, #tpu.memory_space<hbm>>
        tpu.enqueue_dma source(%dma_start3A_71 : memref<26x128xf32, #tpu.memory_space<hbm>>) target(%arg9 : memref<26x128xf32, #tpu.memory_space<vmem>>) target_semaphore(%run_scoped3A : memref<!tpu.dma_semaphore, #tpu.memory_space<semaphore_mem>>)
        %dma_wait3A_72 = arith.constant 0 : i32
        %dma_wait3A_73 = arith.constant 0 : i32
        %dma_wait3A_74 = tpu.memref_slice %arg2[%add3A_12, %dma_wait3A_72, %dma_wait3A_73] : memref<1024x26x128xf32, #tpu.memory_space<hbm>> -> memref<1x26x128xf32, #tpu.memory_space<hbm>>
        %dma_wait3A_75 = tpu.memref_squeeze %dma_wait3A_74 : memref<1x26x128xf32, #tpu.memory_space<hbm>> -> memref<26x128xf32, #tpu.memory_space<hbm>>
        %dma_wait3A_76 = arith.constant 0 : i32
        %dma_wait3A_77 = arith.constant 0 : i32
        %dma_wait3A_78 = tpu.memref_slice %arg2[%add3A_12, %dma_wait3A_76, %dma_wait3A_77] : memref<1024x26x128xf32, #tpu.memory_space<hbm>> -> memref<1x26x128xf32, #tpu.memory_space<hbm>>
        %dma_wait3A_79 = tpu.memref_squeeze %dma_wait3A_78 : memref<1x26x128xf32, #tpu.memory_space<hbm>> -> memref<26x128xf32, #tpu.memory_space<hbm>>
        tpu.wait_dma2 semaphore(%run_scoped3A : memref<!tpu.dma_semaphore, #tpu.memory_space<semaphore_mem>>) src(%dma_wait3A_79 : memref<26x128xf32, #tpu.memory_space<hbm>>) dst(%arg9 : memref<26x128xf32, #tpu.memory_space<vmem>>)
        tpu.yield
      }) : () -> ()
      %dma_start3A = arith.constant 0 : i32
      %dma_start3A_13 = arith.constant 0 : i32
      %dma_start3A_14 = tpu.memref_slice %arg10[%dma_start3A, %dma_start3A_13] : memref<260x128xf32, #tpu.memory_space<vmem>> -> memref<128x128xf32, #tpu.memory_space<vmem>>
      %dma_start3A_15 = arith.constant 0 : i32
      %dma_start3A_16 = tpu.memref_slice %arg7[%dma_start3A_15] : memref<260xi32, #tpu.memory_space<vmem>> -> memref<128xi32, #tpu.memory_space<vmem>>
      %dma_start3A_17 = arith.constant 0 : i32
      %dma_start3A_18 = arith.constant 0 : i32
      %dma_start3A_19 = tpu.memref_slice %arg3[%dma_start3A_17, %dma_start3A_18] : memref<26624x128xf32, #tpu.memory_space<hbm>> -> memref<26624x128xf32, #tpu.memory_space<hbm>>
      tpu.enqueue_indirect_dma source(%dma_start3A_19 : memref<26624x128xf32, #tpu.memory_space<hbm>>) target(%dma_start3A_14 : memref<128x128xf32, #tpu.memory_space<vmem>>) offsets(%dma_start3A_16 : memref<128xi32, #tpu.memory_space<vmem>>) semaphore(%arg12 : memref<!tpu.dma_semaphore, #tpu.memory_space<semaphore_mem>>)
      %dma_start3A_20 = arith.constant 128 : i32
      %dma_start3A_21 = arith.constant 0 : i32
      %dma_start3A_22 = tpu.memref_slice %arg10[%dma_start3A_20, %dma_start3A_21] : memref<260x128xf32, #tpu.memory_space<vmem>> -> memref<128x128xf32, #tpu.memory_space<vmem>>
      %dma_start3A_23 = arith.constant 128 : i32
      %dma_start3A_24 = tpu.memref_slice %arg7[%dma_start3A_23] : memref<260xi32, #tpu.memory_space<vmem>> -> memref<128xi32, #tpu.memory_space<vmem>>
      %dma_start3A_25 = arith.constant 0 : i32
      %dma_start3A_26 = arith.constant 0 : i32
      %dma_start3A_27 = tpu.memref_slice %arg3[%dma_start3A_25, %dma_start3A_26] : memref<26624x128xf32, #tpu.memory_space<hbm>> -> memref<26624x128xf32, #tpu.memory_space<hbm>>
      tpu.enqueue_indirect_dma source(%dma_start3A_27 : memref<26624x128xf32, #tpu.memory_space<hbm>>) target(%dma_start3A_22 : memref<128x128xf32, #tpu.memory_space<vmem>>) offsets(%dma_start3A_24 : memref<128xi32, #tpu.memory_space<vmem>>) semaphore(%arg12 : memref<!tpu.dma_semaphore, #tpu.memory_space<semaphore_mem>>)
      %dma_start3A_28 = arith.constant 256 : i32
      %dma_start3A_29 = arith.constant 0 : i32
      %dma_start3A_30 = tpu.memref_slice %arg10[%dma_start3A_28, %dma_start3A_29] : memref<260x128xf32, #tpu.memory_space<vmem>> -> memref<4x128xf32, #tpu.memory_space<vmem>>
      %dma_start3A_31 = arith.constant 256 : i32
      %dma_start3A_32 = tpu.memref_slice %arg7[%dma_start3A_31] : memref<260xi32, #tpu.memory_space<vmem>> -> memref<4xi32, #tpu.memory_space<vmem>>
      %dma_start3A_33 = arith.constant 0 : i32
      %dma_start3A_34 = arith.constant 0 : i32
      %dma_start3A_35 = tpu.memref_slice %arg3[%dma_start3A_33, %dma_start3A_34] : memref<26624x128xf32, #tpu.memory_space<hbm>> -> memref<26624x128xf32, #tpu.memory_space<hbm>>
      tpu.enqueue_indirect_dma source(%dma_start3A_35 : memref<26624x128xf32, #tpu.memory_space<hbm>>) target(%dma_start3A_30 : memref<4x128xf32, #tpu.memory_space<vmem>>) offsets(%dma_start3A_32 : memref<4xi32, #tpu.memory_space<vmem>>) semaphore(%arg12 : memref<!tpu.dma_semaphore, #tpu.memory_space<semaphore_mem>>)
      %dma_wait3A = arith.constant 0 : i32
      %dma_wait3A_36 = arith.constant 0 : i32
      %dma_wait3A_37 = tpu.memref_slice %arg10[%dma_wait3A, %dma_wait3A_36] : memref<260x128xf32, #tpu.memory_space<vmem>> -> memref<128x128xf32, #tpu.memory_space<vmem>>
      %dma_wait3A_38 = arith.constant 0 : i32
      %dma_wait3A_39 = tpu.memref_slice %arg7[%dma_wait3A_38] : memref<260xi32, #tpu.memory_space<vmem>> -> memref<128xi32, #tpu.memory_space<vmem>>
      %dma_wait3A_40 = arith.constant 0 : i32
      %dma_wait3A_41 = arith.constant 0 : i32
      %dma_wait3A_42 = tpu.memref_slice %arg3[%dma_wait3A_40, %dma_wait3A_41] : memref<26624x128xf32, #tpu.memory_space<hbm>> -> memref<26624x128xf32, #tpu.memory_space<hbm>>
      tpu.wait_indirect_dma semaphore(%arg12 : memref<!tpu.dma_semaphore, #tpu.memory_space<semaphore_mem>>) src(%dma_wait3A_42 : memref<26624x128xf32, #tpu.memory_space<hbm>>) dst(%dma_wait3A_37 : memref<128x128xf32, #tpu.memory_space<vmem>>)
      %dma_wait3A_43 = arith.constant 128 : i32
      %dma_wait3A_44 = arith.constant 0 : i32
      %dma_wait3A_45 = tpu.memref_slice %arg10[%dma_wait3A_43, %dma_wait3A_44] : memref<260x128xf32, #tpu.memory_space<vmem>> -> memref<128x128xf32, #tpu.memory_space<vmem>>
      %dma_wait3A_46 = arith.constant 128 : i32
      %dma_wait3A_47 = tpu.memref_slice %arg7[%dma_wait3A_46] : memref<260xi32, #tpu.memory_space<vmem>> -> memref<128xi32, #tpu.memory_space<vmem>>
      %dma_wait3A_48 = arith.constant 0 : i32
      %dma_wait3A_49 = arith.constant 0 : i32
      %dma_wait3A_50 = tpu.memref_slice %arg3[%dma_wait3A_48, %dma_wait3A_49] : memref<26624x128xf32, #tpu.memory_space<hbm>> -> memref<26624x128xf32, #tpu.memory_space<hbm>>
      tpu.wait_indirect_dma semaphore(%arg12 : memref<!tpu.dma_semaphore, #tpu.memory_space<semaphore_mem>>) src(%dma_wait3A_50 : memref<26624x128xf32, #tpu.memory_space<hbm>>) dst(%dma_wait3A_45 : memref<128x128xf32, #tpu.memory_space<vmem>>)
      %dma_wait3A_51 = arith.constant 256 : i32
      %dma_wait3A_52 = arith.constant 0 : i32
      %dma_wait3A_53 = tpu.memref_slice %arg10[%dma_wait3A_51, %dma_wait3A_52] : memref<260x128xf32, #tpu.memory_space<vmem>> -> memref<4x128xf32, #tpu.memory_space<vmem>>
      %dma_wait3A_54 = arith.constant 256 : i32
      %dma_wait3A_55 = tpu.memref_slice %arg7[%dma_wait3A_54] : memref<260xi32, #tpu.memory_space<vmem>> -> memref<4xi32, #tpu.memory_space<vmem>>
      %dma_wait3A_56 = arith.constant 0 : i32
      %dma_wait3A_57 = arith.constant 0 : i32
      %dma_wait3A_58 = tpu.memref_slice %arg3[%dma_wait3A_56, %dma_wait3A_57] : memref<26624x128xf32, #tpu.memory_space<hbm>> -> memref<26624x128xf32, #tpu.memory_space<hbm>>
      tpu.wait_indirect_dma semaphore(%arg12 : memref<!tpu.dma_semaphore, #tpu.memory_space<semaphore_mem>>) src(%dma_wait3A_58 : memref<26624x128xf32, #tpu.memory_space<hbm>>) dst(%dma_wait3A_53 : memref<4x128xf32, #tpu.memory_space<vmem>>)
      %scan3A_59 = arith.constant 0 : i32
      %scan3A_60 = arith.constant 26 : i32
      %scan3A_61 = arith.addi %scan3A_59, %scan3A_60 : i32
      %scan3A_62 = arith.constant 1 : i32
      scf.for %scan3A_64 = %scan3A_59 to %scan3A_61 step %scan3A_62  : i32 {
        %mul3A_65 = arith.constant 1 : i32
        %mul3A_66 = arith.muli %scan3A_64, %mul3A_65 : i32
        %add3A_67 = arith.constant 0 : i32
        %add3A_68 = arith.addi %add3A_67, %mul3A_66 : i32
        %mul3A_69 = arith.constant 10 : i32
        %mul3A_70 = arith.muli %add3A_68, %mul3A_69 : i32
        %get3A = arith.index_cast %mul3A_70 : i32 to index
        %get3A_71 = arith.constant 0 : index
        %get3A_72 = tpu.vector_load %arg10[%get3A, %get3A_71] {strides = array<i32>} : memref<260x128xf32, #tpu.memory_space<vmem>>, vector<10x128xf32>,
        %get3A_73 = vector.shape_cast %get3A_72 : vector<10x128xf32> to vector<10x128xf32>
        %mul3A_74 = arith.constant 10 : i32
        %mul3A_75 = arith.muli %add3A_68, %mul3A_74 : i32
        %get3A_76 = arith.index_cast %mul3A_75 : i32 to index
        %get3A_77 = arith.constant 0 : index
        %get3A_78 = tpu.vector_load %arg8[%get3A_76, %get3A_77] {strides = array<i32>} : memref<260x1xf32, #tpu.memory_space<vmem>>, vector<10x1xf32>,
        %get3A_79 = vector.shape_cast %get3A_78 : vector<10x1xf32> to vector<10x1xf32>
        %get3A_80 = arith.index_cast %add3A_68 : i32 to index
        %get3A_81 = arith.constant 0 : index
        %get3A_82 = tpu.vector_load %arg9[%get3A_80, %get3A_81] {strides = array<i32>} : memref<26x128xf32, #tpu.memory_space<vmem>>, vector<1x128xf32>,
        %get3A_83 = vector.shape_cast %get3A_82 : vector<1x128xf32> to vector<1x128xf32>
        %mul3A_84 = vector.broadcast %get3A_79 : vector<10x1xf32> to vector<10x128xf32>
        %mul3A_85 = arith.mulf %get3A_73, %mul3A_84 : vector<10x128xf32>
        %mul3A_86 = vector.broadcast %get3A_83 : vector<1x128xf32> to vector<10x128xf32>
        %mul3A_87 = arith.mulf %mul3A_85, %mul3A_86 : vector<10x128xf32>
        %mul3A_88 = arith.constant 10 : i32
        %mul3A_89 = arith.muli %add3A_68, %mul3A_88 : i32
        %swap3A = arith.index_cast %mul3A_89 : i32 to index
        %swap3A_90 = arith.constant 0 : index
        %swap3A_91 = tpu.vector_load %arg11[%swap3A, %swap3A_90] {strides = array<i32>} : memref<260x128xf32, #tpu.memory_space<vmem>>, vector<10x128xf32>,
        %swap3A_92 = vector.shape_cast %swap3A_91 : vector<10x128xf32> to vector<10x128xf32>
        %swap3A_93 = vector.shape_cast %mul3A_87 : vector<10x128xf32> to vector<10x128xf32>
        tpu.vector_store %arg11[%swap3A, %swap3A_90], %swap3A_93 {strides = array<i32>} : memref<260x128xf32, #tpu.memory_space<vmem>>, vector<10x128xf32>,
      }
      %scan3A_63 = arith.constant 26 : i32
      "tpu.region"() ({
        %run_scoped3A = tpu.sem_alloc : memref<!tpu.dma_semaphore, #tpu.memory_space<semaphore_mem>>
        %dma_start3A_64 = arith.constant 0 : i32
        %dma_start3A_65 = arith.constant 0 : i32
        %dma_start3A_66 = tpu.memref_slice %arg6[%add3A_12, %dma_start3A_64, %dma_start3A_65] : memref<1024x260x128xf32, #tpu.memory_space<hbm>> -> memref<1x260x128xf32, #tpu.memory_space<hbm>>
        %dma_start3A_67 = tpu.memref_squeeze %dma_start3A_66 : memref<1x260x128xf32, #tpu.memory_space<hbm>> -> memref<260x128xf32, #tpu.memory_space<hbm>>
        %dma_start3A_68 = arith.constant 0 : i32
        %dma_start3A_69 = arith.constant 0 : i32
        %dma_start3A_70 = tpu.memref_slice %arg6[%add3A_12, %dma_start3A_68, %dma_start3A_69] : memref<1024x260x128xf32, #tpu.memory_space<hbm>> -> memref<1x260x128xf32, #tpu.memory_space<hbm>>
        %dma_start3A_71 = tpu.memref_squeeze %dma_start3A_70 : memref<1x260x128xf32, #tpu.memory_space<hbm>> -> memref<260x128xf32, #tpu.memory_space<hbm>>
        tpu.enqueue_dma source(%arg11 : memref<260x128xf32, #tpu.memory_space<vmem>>) target(%dma_start3A_71 : memref<260x128xf32, #tpu.memory_space<hbm>>) target_semaphore(%run_scoped3A : memref<!tpu.dma_semaphore, #tpu.memory_space<semaphore_mem>>)
        %dma_wait3A_72 = arith.constant 0 : i32
        %dma_wait3A_73 = arith.constant 0 : i32
        %dma_wait3A_74 = tpu.memref_slice %arg6[%add3A_12, %dma_wait3A_72, %dma_wait3A_73] : memref<1024x260x128xf32, #tpu.memory_space<hbm>> -> memref<1x260x128xf32, #tpu.memory_space<hbm>>
        %dma_wait3A_75 = tpu.memref_squeeze %dma_wait3A_74 : memref<1x260x128xf32, #tpu.memory_space<hbm>> -> memref<260x128xf32, #tpu.memory_space<hbm>>
        %dma_wait3A_76 = arith.constant 0 : i32
        %dma_wait3A_77 = arith.constant 0 : i32
        %dma_wait3A_78 = tpu.memref_slice %arg6[%add3A_12, %dma_wait3A_76, %dma_wait3A_77] : memref<1024x260x128xf32, #tpu.memory_space<hbm>> -> memref<1x260x128xf32, #tpu.memory_space<hbm>>
        %dma_wait3A_79 = tpu.memref_squeeze %dma_wait3A_78 : memref<1x260x128xf32, #tpu.memory_space<hbm>> -> memref<260x128xf32, #tpu.memory_space<hbm>>
        tpu.wait_dma2 semaphore(%run_scoped3A : memref<!tpu.dma_semaphore, #tpu.memory_space<semaphore_mem>>) src(%arg11 : memref<260x128xf32, #tpu.memory_space<vmem>>) dst(%dma_wait3A_79 : memref<260x128xf32, #tpu.memory_space<hbm>>)
        tpu.yield
      }) : () -> ()
    }
    %scan3A_4 = arith.constant 32 : i32
    return
  }
}

module attributes {stable_mosaic.version = 14 : i64} {
  func.func @_scores_kernel(%arg0: i32, %arg1: memref<8x26x128xf32, #tpu.memory_space<vmem>>, %arg2: memref<8x26x128xf32, #tpu.memory_space<vmem>>, %arg3: memref<128x128xf32, #tpu.memory_space<vmem>>, %arg4: memref<128x128xf32, #tpu.memory_space<vmem>>, %arg5: memref<208x10xf32, #tpu.memory_space<vmem>>, %arg6: memref<208x10xi32, #tpu.memory_space<vmem>>) attributes {dimension_semantics = [#tpu.dimension_semantics<arbitrary>], iteration_bounds = array<i64: 128>, scalar_prefetch = 0 : i64, scratch_operands = 0 : i64, tpu.core_type = #tpu.core_type<tc>, window_params = [{transform_indices = @transform_0, window_bounds = array<i64: 8, 26, 128>}, {transform_indices = @transform_1, window_bounds = array<i64: 8, 26, 128>}, {pipeline_mode = #tpu.pipeline_mode<synchronous>, transform_indices = @transform_2, window_bounds = array<i64: 128, 128>}, {pipeline_mode = #tpu.pipeline_mode<synchronous>, transform_indices = @transform_3, window_bounds = array<i64: 128, 128>}, {transform_indices = @transform_4, window_bounds = array<i64: 208, 10>}, {transform_indices = @transform_5, window_bounds = array<i64: 208, 10>}]} {
    %get3A = arith.constant 0 : index
    %get3A_0 = arith.constant 0 : index
    %get3A_1 = vector.load %arg3[%get3A, %get3A_0] : memref<128x128xf32, #tpu.memory_space<vmem>>, vector<128x128xf32>
    %transpose3A = tpu.transpose %get3A_1, [1, 0] : vector<128x128xf32> -> vector<128x128xf32>
    %get3A_2 = arith.constant 0 : index
    %get3A_3 = arith.constant 0 : index
    %get3A_4 = vector.load %arg4[%get3A_2, %get3A_3] : memref<128x128xf32, #tpu.memory_space<vmem>>, vector<128x128xf32>
    %transpose3A_5 = tpu.transpose %get3A_4, [1, 0] : vector<128x128xf32> -> vector<128x128xf32>
    %get3A_6 = arith.constant 0 : index
    %get3A_7 = arith.constant 0 : index
    %get3A_8 = arith.constant 0 : index
    %get3A_9 = vector.load %arg1[%get3A_6, %get3A_7, %get3A_8] : memref<8x26x128xf32, #tpu.memory_space<vmem>>, vector<1x26x128xf32>
    %get3A_10 = vector.shape_cast %get3A_9 : vector<1x26x128xf32> to vector<26x128xf32>
    %get3A_11 = arith.constant 1 : index
    %get3A_12 = arith.constant 0 : index
    %get3A_13 = arith.constant 0 : index
    %get3A_14 = vector.load %arg1[%get3A_11, %get3A_12, %get3A_13] : memref<8x26x128xf32, #tpu.memory_space<vmem>>, vector<1x26x128xf32>
    %get3A_15 = vector.shape_cast %get3A_14 : vector<1x26x128xf32> to vector<26x128xf32>
    %get3A_16 = arith.constant 2 : index
    %get3A_17 = arith.constant 0 : index
    %get3A_18 = arith.constant 0 : index
    %get3A_19 = vector.load %arg1[%get3A_16, %get3A_17, %get3A_18] : memref<8x26x128xf32, #tpu.memory_space<vmem>>, vector<1x26x128xf32>
    %get3A_20 = vector.shape_cast %get3A_19 : vector<1x26x128xf32> to vector<26x128xf32>
    %get3A_21 = arith.constant 3 : index
    %get3A_22 = arith.constant 0 : index
    %get3A_23 = arith.constant 0 : index
    %get3A_24 = vector.load %arg1[%get3A_21, %get3A_22, %get3A_23] : memref<8x26x128xf32, #tpu.memory_space<vmem>>, vector<1x26x128xf32>
    %get3A_25 = vector.shape_cast %get3A_24 : vector<1x26x128xf32> to vector<26x128xf32>
    %get3A_26 = arith.constant 4 : index
    %get3A_27 = arith.constant 0 : index
    %get3A_28 = arith.constant 0 : index
    %get3A_29 = vector.load %arg1[%get3A_26, %get3A_27, %get3A_28] : memref<8x26x128xf32, #tpu.memory_space<vmem>>, vector<1x26x128xf32>
    %get3A_30 = vector.shape_cast %get3A_29 : vector<1x26x128xf32> to vector<26x128xf32>
    %get3A_31 = arith.constant 5 : index
    %get3A_32 = arith.constant 0 : index
    %get3A_33 = arith.constant 0 : index
    %get3A_34 = vector.load %arg1[%get3A_31, %get3A_32, %get3A_33] : memref<8x26x128xf32, #tpu.memory_space<vmem>>, vector<1x26x128xf32>
    %get3A_35 = vector.shape_cast %get3A_34 : vector<1x26x128xf32> to vector<26x128xf32>
    %get3A_36 = arith.constant 6 : index
    %get3A_37 = arith.constant 0 : index
    %get3A_38 = arith.constant 0 : index
    %get3A_39 = vector.load %arg1[%get3A_36, %get3A_37, %get3A_38] : memref<8x26x128xf32, #tpu.memory_space<vmem>>, vector<1x26x128xf32>
    %get3A_40 = vector.shape_cast %get3A_39 : vector<1x26x128xf32> to vector<26x128xf32>
    %get3A_41 = arith.constant 7 : index
    %get3A_42 = arith.constant 0 : index
    %get3A_43 = arith.constant 0 : index
    %get3A_44 = vector.load %arg1[%get3A_41, %get3A_42, %get3A_43] : memref<8x26x128xf32, #tpu.memory_space<vmem>>, vector<1x26x128xf32>
    %get3A_45 = vector.shape_cast %get3A_44 : vector<1x26x128xf32> to vector<26x128xf32>
    %concatenate3A = tpu.concatenate %get3A_10, %get3A_15, %get3A_20, %get3A_25, %get3A_30, %get3A_35, %get3A_40, %get3A_45 in 0 : vector<26x128xf32>, vector<26x128xf32>, vector<26x128xf32>, vector<26x128xf32>, vector<26x128xf32>, vector<26x128xf32>, vector<26x128xf32>, vector<26x128xf32> -> vector<208x128xf32>
    %get3A_46 = arith.constant 0 : index
    %get3A_47 = arith.constant 0 : index
    %get3A_48 = arith.constant 0 : index
    %get3A_49 = vector.load %arg2[%get3A_46, %get3A_47, %get3A_48] : memref<8x26x128xf32, #tpu.memory_space<vmem>>, vector<1x26x128xf32>
    %get3A_50 = vector.shape_cast %get3A_49 : vector<1x26x128xf32> to vector<26x128xf32>
    %get3A_51 = arith.constant 1 : index
    %get3A_52 = arith.constant 0 : index
    %get3A_53 = arith.constant 0 : index
    %get3A_54 = vector.load %arg2[%get3A_51, %get3A_52, %get3A_53] : memref<8x26x128xf32, #tpu.memory_space<vmem>>, vector<1x26x128xf32>
    %get3A_55 = vector.shape_cast %get3A_54 : vector<1x26x128xf32> to vector<26x128xf32>
    %get3A_56 = arith.constant 2 : index
    %get3A_57 = arith.constant 0 : index
    %get3A_58 = arith.constant 0 : index
    %get3A_59 = vector.load %arg2[%get3A_56, %get3A_57, %get3A_58] : memref<8x26x128xf32, #tpu.memory_space<vmem>>, vector<1x26x128xf32>
    %get3A_60 = vector.shape_cast %get3A_59 : vector<1x26x128xf32> to vector<26x128xf32>
    %get3A_61 = arith.constant 3 : index
    %get3A_62 = arith.constant 0 : index
    %get3A_63 = arith.constant 0 : index
    %get3A_64 = vector.load %arg2[%get3A_61, %get3A_62, %get3A_63] : memref<8x26x128xf32, #tpu.memory_space<vmem>>, vector<1x26x128xf32>
    %get3A_65 = vector.shape_cast %get3A_64 : vector<1x26x128xf32> to vector<26x128xf32>
    %get3A_66 = arith.constant 4 : index
    %get3A_67 = arith.constant 0 : index
    %get3A_68 = arith.constant 0 : index
    %get3A_69 = vector.load %arg2[%get3A_66, %get3A_67, %get3A_68] : memref<8x26x128xf32, #tpu.memory_space<vmem>>, vector<1x26x128xf32>
    %get3A_70 = vector.shape_cast %get3A_69 : vector<1x26x128xf32> to vector<26x128xf32>
    %get3A_71 = arith.constant 5 : index
    %get3A_72 = arith.constant 0 : index
    %get3A_73 = arith.constant 0 : index
    %get3A_74 = vector.load %arg2[%get3A_71, %get3A_72, %get3A_73] : memref<8x26x128xf32, #tpu.memory_space<vmem>>, vector<1x26x128xf32>
    %get3A_75 = vector.shape_cast %get3A_74 : vector<1x26x128xf32> to vector<26x128xf32>
    %get3A_76 = arith.constant 6 : index
    %get3A_77 = arith.constant 0 : index
    %get3A_78 = arith.constant 0 : index
    %get3A_79 = vector.load %arg2[%get3A_76, %get3A_77, %get3A_78] : memref<8x26x128xf32, #tpu.memory_space<vmem>>, vector<1x26x128xf32>
    %get3A_80 = vector.shape_cast %get3A_79 : vector<1x26x128xf32> to vector<26x128xf32>
    %get3A_81 = arith.constant 7 : index
    %get3A_82 = arith.constant 0 : index
    %get3A_83 = arith.constant 0 : index
    %get3A_84 = vector.load %arg2[%get3A_81, %get3A_82, %get3A_83] : memref<8x26x128xf32, #tpu.memory_space<vmem>>, vector<1x26x128xf32>
    %get3A_85 = vector.shape_cast %get3A_84 : vector<1x26x128xf32> to vector<26x128xf32>
    %concatenate3A_86 = tpu.concatenate %get3A_50, %get3A_55, %get3A_60, %get3A_65, %get3A_70, %get3A_75, %get3A_80, %get3A_85 in 0 : vector<26x128xf32>, vector<26x128xf32>, vector<26x128xf32>, vector<26x128xf32>, vector<26x128xf32>, vector<26x128xf32>, vector<26x128xf32>, vector<26x128xf32> -> vector<208x128xf32>
    %dot_general3A = arith.constant dense<0.000000e+00> : vector<208x128xf32>
    %dot_general3A_87 = tpu.matmul %concatenate3A, %transpose3A, %dot_general3A {dimension_numbers = #tpu.dot_dimension_numbers<[1], [0], [0], [1], [0, 0, 1, 1], [], []>, transpose_lhs_hint = false} : vector<208x128xf32>, vector<128x128xf32>, vector<208x128xf32> -> vector<208x128xf32>
    %dot_general3A_88 = arith.constant dense<0.000000e+00> : vector<208x128xf32>
    %dot_general3A_89 = tpu.matmul %concatenate3A_86, %transpose3A_5, %dot_general3A_88 {dimension_numbers = #tpu.dot_dimension_numbers<[1], [0], [0], [1], [0, 0, 1, 1], [], []>, transpose_lhs_hint = false} : vector<208x128xf32>, vector<128x128xf32>, vector<208x128xf32> -> vector<208x128xf32>
    %dot_general3A_90 = arith.constant dense<0.000000e+00> : vector<208x208xf32>
    %dot_general3A_91 = tpu.matmul %dot_general3A_87, %dot_general3A_89, %dot_general3A_90 {dimension_numbers = #tpu.dot_dimension_numbers<[1], [1], [0], [0], [0, 0, 1, 0], [], []>, transpose_lhs_hint = false} : vector<208x128xf32>, vector<208x128xf32>, vector<208x208xf32> -> vector<208x208xf32>
    %slice3A = vector.extract_strided_slice %dot_general3A_91 {offsets = [0, 0], sizes = [26, 26], strides = [1, 1]} : vector<208x208xf32> to vector<26x26xf32>
    %slice3A_92 = vector.extract_strided_slice %dot_general3A_91 {offsets = [26, 26], sizes = [26, 26], strides = [1, 1]} : vector<208x208xf32> to vector<26x26xf32>
    %slice3A_93 = vector.extract_strided_slice %dot_general3A_91 {offsets = [52, 52], sizes = [26, 26], strides = [1, 1]} : vector<208x208xf32> to vector<26x26xf32>
    %slice3A_94 = vector.extract_strided_slice %dot_general3A_91 {offsets = [78, 78], sizes = [26, 26], strides = [1, 1]} : vector<208x208xf32> to vector<26x26xf32>
    %slice3A_95 = vector.extract_strided_slice %dot_general3A_91 {offsets = [104, 104], sizes = [26, 26], strides = [1, 1]} : vector<208x208xf32> to vector<26x26xf32>
    %slice3A_96 = vector.extract_strided_slice %dot_general3A_91 {offsets = [130, 130], sizes = [26, 26], strides = [1, 1]} : vector<208x208xf32> to vector<26x26xf32>
    %slice3A_97 = vector.extract_strided_slice %dot_general3A_91 {offsets = [156, 156], sizes = [26, 26], strides = [1, 1]} : vector<208x208xf32> to vector<26x26xf32>
    %slice3A_98 = vector.extract_strided_slice %dot_general3A_91 {offsets = [182, 182], sizes = [26, 26], strides = [1, 1]} : vector<208x208xf32> to vector<26x26xf32>
    %concatenate3A_99 = tpu.concatenate %slice3A, %slice3A_92, %slice3A_93, %slice3A_94, %slice3A_95, %slice3A_96, %slice3A_97, %slice3A_98 in 0 : vector<26x26xf32>, vector<26x26xf32>, vector<26x26xf32>, vector<26x26xf32>, vector<26x26xf32>, vector<26x26xf32>, vector<26x26xf32>, vector<26x26xf32> -> vector<208x26xf32>
    %reduce_max3A = arith.constant dense<0xFF800000> : vector<208xf32>
    %reduce_max3A_100 = vector.multi_reduction <maximumf>, %concatenate3A_99, %reduce_max3A [1] : vector<208x26xf32> to vector<208xf32>
    %broadcast_in_dim3A = vector.shape_cast %reduce_max3A_100 : vector<208xf32> to vector<208x1xf32>
    %eq3A = vector.broadcast %broadcast_in_dim3A : vector<208x1xf32> to vector<208x26xf32>
    %eq3A_101 = arith.cmpf oeq, %concatenate3A_99, %eq3A : vector<208x26xf32>
    %jit3A = arith.constant 0xFF800000 : f32
    %broadcast_in_dim3A_102 = vector.broadcast %jit3A : f32 to vector<208x26xf32>
    %select_n3A = arith.select %eq3A_101, %broadcast_in_dim3A_102, %concatenate3A_99 : vector<208x26xi1>, vector<208x26xf32>
    %reduce_max3A_103 = arith.constant dense<0xFF800000> : vector<208xf32>
    %reduce_max3A_104 = vector.multi_reduction <maximumf>, %select_n3A, %reduce_max3A_103 [1] : vector<208x26xf32> to vector<208xf32>
    %broadcast_in_dim3A_105 = vector.shape_cast %reduce_max3A_104 : vector<208xf32> to vector<208x1xf32>
    %eq3A_106 = vector.broadcast %broadcast_in_dim3A_105 : vector<208x1xf32> to vector<208x26xf32>
    %eq3A_107 = arith.cmpf oeq, %select_n3A, %eq3A_106 : vector<208x26xf32>
    %jit3A_108 = arith.constant 0xFF800000 : f32
    %broadcast_in_dim3A_109 = vector.broadcast %jit3A_108 : f32 to vector<208x26xf32>
    %select_n3A_110 = arith.select %eq3A_107, %broadcast_in_dim3A_109, %select_n3A : vector<208x26xi1>, vector<208x26xf32>
    %reduce_max3A_111 = arith.constant dense<0xFF800000> : vector<208xf32>
    %reduce_max3A_112 = vector.multi_reduction <maximumf>, %select_n3A_110, %reduce_max3A_111 [1] : vector<208x26xf32> to vector<208xf32>
    %broadcast_in_dim3A_113 = vector.shape_cast %reduce_max3A_112 : vector<208xf32> to vector<208x1xf32>
    %eq3A_114 = vector.broadcast %broadcast_in_dim3A_113 : vector<208x1xf32> to vector<208x26xf32>
    %eq3A_115 = arith.cmpf oeq, %select_n3A_110, %eq3A_114 : vector<208x26xf32>
    %jit3A_116 = arith.constant 0xFF800000 : f32
    %broadcast_in_dim3A_117 = vector.broadcast %jit3A_116 : f32 to vector<208x26xf32>
    %select_n3A_118 = arith.select %eq3A_115, %broadcast_in_dim3A_117, %select_n3A_110 : vector<208x26xi1>, vector<208x26xf32>
    %reduce_max3A_119 = arith.constant dense<0xFF800000> : vector<208xf32>
    %reduce_max3A_120 = vector.multi_reduction <maximumf>, %select_n3A_118, %reduce_max3A_119 [1] : vector<208x26xf32> to vector<208xf32>
    %broadcast_in_dim3A_121 = vector.shape_cast %reduce_max3A_120 : vector<208xf32> to vector<208x1xf32>
    %eq3A_122 = vector.broadcast %broadcast_in_dim3A_121 : vector<208x1xf32> to vector<208x26xf32>
    %eq3A_123 = arith.cmpf oeq, %select_n3A_118, %eq3A_122 : vector<208x26xf32>
    %jit3A_124 = arith.constant 0xFF800000 : f32
    %broadcast_in_dim3A_125 = vector.broadcast %jit3A_124 : f32 to vector<208x26xf32>
    %select_n3A_126 = arith.select %eq3A_123, %broadcast_in_dim3A_125, %select_n3A_118 : vector<208x26xi1>, vector<208x26xf32>
    %reduce_max3A_127 = arith.constant dense<0xFF800000> : vector<208xf32>
    %reduce_max3A_128 = vector.multi_reduction <maximumf>, %select_n3A_126, %reduce_max3A_127 [1] : vector<208x26xf32> to vector<208xf32>
    %broadcast_in_dim3A_129 = vector.shape_cast %reduce_max3A_128 : vector<208xf32> to vector<208x1xf32>
    %eq3A_130 = vector.broadcast %broadcast_in_dim3A_129 : vector<208x1xf32> to vector<208x26xf32>
    %eq3A_131 = arith.cmpf oeq, %select_n3A_126, %eq3A_130 : vector<208x26xf32>
    %jit3A_132 = arith.constant 0xFF800000 : f32
    %broadcast_in_dim3A_133 = vector.broadcast %jit3A_132 : f32 to vector<208x26xf32>
    %select_n3A_134 = arith.select %eq3A_131, %broadcast_in_dim3A_133, %select_n3A_126 : vector<208x26xi1>, vector<208x26xf32>
    %reduce_max3A_135 = arith.constant dense<0xFF800000> : vector<208xf32>
    %reduce_max3A_136 = vector.multi_reduction <maximumf>, %select_n3A_134, %reduce_max3A_135 [1] : vector<208x26xf32> to vector<208xf32>
    %broadcast_in_dim3A_137 = vector.shape_cast %reduce_max3A_136 : vector<208xf32> to vector<208x1xf32>
    %eq3A_138 = vector.broadcast %broadcast_in_dim3A_137 : vector<208x1xf32> to vector<208x26xf32>
    %eq3A_139 = arith.cmpf oeq, %select_n3A_134, %eq3A_138 : vector<208x26xf32>
    %jit3A_140 = arith.constant 0xFF800000 : f32
    %broadcast_in_dim3A_141 = vector.broadcast %jit3A_140 : f32 to vector<208x26xf32>
    %select_n3A_142 = arith.select %eq3A_139, %broadcast_in_dim3A_141, %select_n3A_134 : vector<208x26xi1>, vector<208x26xf32>
    %reduce_max3A_143 = arith.constant dense<0xFF800000> : vector<208xf32>
    %reduce_max3A_144 = vector.multi_reduction <maximumf>, %select_n3A_142, %reduce_max3A_143 [1] : vector<208x26xf32> to vector<208xf32>
    %broadcast_in_dim3A_145 = vector.shape_cast %reduce_max3A_144 : vector<208xf32> to vector<208x1xf32>
    %eq3A_146 = vector.broadcast %broadcast_in_dim3A_145 : vector<208x1xf32> to vector<208x26xf32>
    %eq3A_147 = arith.cmpf oeq, %select_n3A_142, %eq3A_146 : vector<208x26xf32>
    %jit3A_148 = arith.constant 0xFF800000 : f32
    %broadcast_in_dim3A_149 = vector.broadcast %jit3A_148 : f32 to vector<208x26xf32>
    %select_n3A_150 = arith.select %eq3A_147, %broadcast_in_dim3A_149, %select_n3A_142 : vector<208x26xi1>, vector<208x26xf32>
    %reduce_max3A_151 = arith.constant dense<0xFF800000> : vector<208xf32>
    %reduce_max3A_152 = vector.multi_reduction <maximumf>, %select_n3A_150, %reduce_max3A_151 [1] : vector<208x26xf32> to vector<208xf32>
    %broadcast_in_dim3A_153 = vector.shape_cast %reduce_max3A_152 : vector<208xf32> to vector<208x1xf32>
    %eq3A_154 = vector.broadcast %broadcast_in_dim3A_153 : vector<208x1xf32> to vector<208x26xf32>
    %eq3A_155 = arith.cmpf oeq, %select_n3A_150, %eq3A_154 : vector<208x26xf32>
    %jit3A_156 = arith.constant 0xFF800000 : f32
    %broadcast_in_dim3A_157 = vector.broadcast %jit3A_156 : f32 to vector<208x26xf32>
    %select_n3A_158 = arith.select %eq3A_155, %broadcast_in_dim3A_157, %select_n3A_150 : vector<208x26xi1>, vector<208x26xf32>
    %reduce_max3A_159 = arith.constant dense<0xFF800000> : vector<208xf32>
    %reduce_max3A_160 = vector.multi_reduction <maximumf>, %select_n3A_158, %reduce_max3A_159 [1] : vector<208x26xf32> to vector<208xf32>
    %broadcast_in_dim3A_161 = vector.shape_cast %reduce_max3A_160 : vector<208xf32> to vector<208x1xf32>
    %eq3A_162 = vector.broadcast %broadcast_in_dim3A_161 : vector<208x1xf32> to vector<208x26xf32>
    %eq3A_163 = arith.cmpf oeq, %select_n3A_158, %eq3A_162 : vector<208x26xf32>
    %jit3A_164 = arith.constant 0xFF800000 : f32
    %broadcast_in_dim3A_165 = vector.broadcast %jit3A_164 : f32 to vector<208x26xf32>
    %select_n3A_166 = arith.select %eq3A_163, %broadcast_in_dim3A_165, %select_n3A_158 : vector<208x26xi1>, vector<208x26xf32>
    %reduce_max3A_167 = arith.constant dense<0xFF800000> : vector<208xf32>
    %reduce_max3A_168 = vector.multi_reduction <maximumf>, %select_n3A_166, %reduce_max3A_167 [1] : vector<208x26xf32> to vector<208xf32>
    %broadcast_in_dim3A_169 = vector.shape_cast %reduce_max3A_168 : vector<208xf32> to vector<208x1xf32>
    %sub3A = arith.subf %broadcast_in_dim3A, %broadcast_in_dim3A : vector<208x1xf32>
    %exp3A = math.exp %sub3A : vector<208x1xf32>
    %sub3A_170 = arith.subf %broadcast_in_dim3A_105, %broadcast_in_dim3A : vector<208x1xf32>
    %exp3A_171 = math.exp %sub3A_170 : vector<208x1xf32>
    %sub3A_172 = arith.subf %broadcast_in_dim3A_113, %broadcast_in_dim3A : vector<208x1xf32>
    %exp3A_173 = math.exp %sub3A_172 : vector<208x1xf32>
    %sub3A_174 = arith.subf %broadcast_in_dim3A_121, %broadcast_in_dim3A : vector<208x1xf32>
    %exp3A_175 = math.exp %sub3A_174 : vector<208x1xf32>
    %sub3A_176 = arith.subf %broadcast_in_dim3A_129, %broadcast_in_dim3A : vector<208x1xf32>
    %exp3A_177 = math.exp %sub3A_176 : vector<208x1xf32>
    %sub3A_178 = arith.subf %broadcast_in_dim3A_137, %broadcast_in_dim3A : vector<208x1xf32>
    %exp3A_179 = math.exp %sub3A_178 : vector<208x1xf32>
    %sub3A_180 = arith.subf %broadcast_in_dim3A_145, %broadcast_in_dim3A : vector<208x1xf32>
    %exp3A_181 = math.exp %sub3A_180 : vector<208x1xf32>
    %sub3A_182 = arith.subf %broadcast_in_dim3A_153, %broadcast_in_dim3A : vector<208x1xf32>
    %exp3A_183 = math.exp %sub3A_182 : vector<208x1xf32>
    %sub3A_184 = arith.subf %broadcast_in_dim3A_161, %broadcast_in_dim3A : vector<208x1xf32>
    %exp3A_185 = math.exp %sub3A_184 : vector<208x1xf32>
    %sub3A_186 = arith.subf %broadcast_in_dim3A_169, %broadcast_in_dim3A : vector<208x1xf32>
    %exp3A_187 = math.exp %sub3A_186 : vector<208x1xf32>
    %add3A = arith.constant 0.000000e+00 : f32
    %add3A_188 = vector.broadcast %add3A : f32 to vector<208x1xf32>
    %add3A_189 = arith.addf %add3A_188, %exp3A : vector<208x1xf32>
    %add3A_190 = arith.addf %add3A_189, %exp3A_171 : vector<208x1xf32>
    %add3A_191 = arith.addf %add3A_190, %exp3A_173 : vector<208x1xf32>
    %add3A_192 = arith.addf %add3A_191, %exp3A_175 : vector<208x1xf32>
    %add3A_193 = arith.addf %add3A_192, %exp3A_177 : vector<208x1xf32>
    %add3A_194 = arith.addf %add3A_193, %exp3A_179 : vector<208x1xf32>
    %add3A_195 = arith.addf %add3A_194, %exp3A_181 : vector<208x1xf32>
    %add3A_196 = arith.addf %add3A_195, %exp3A_183 : vector<208x1xf32>
    %add3A_197 = arith.addf %add3A_196, %exp3A_185 : vector<208x1xf32>
    %add3A_198 = arith.addf %add3A_197, %exp3A_187 : vector<208x1xf32>
    %div3A = arith.constant 1.000000e+00 : f32
    %div3A_199 = vector.broadcast %div3A : f32 to vector<208x1xf32>
    %div3A_200 = arith.divf %div3A_199, %add3A_198 : vector<208x1xf32>
    %iota3A = tpu.iota {dimensions = array<i32: 0>} : vector<208x208xi32>
    %iota3A_201 = tpu.iota {dimensions = array<i32: 1>} : vector<208x208xi32>
    %jit3A_202 = arith.constant 26 : i32
    %div3A_203 = vector.broadcast %jit3A_202 : i32 to vector<208x208xi32>
    %div3A_204 = arith.divsi %iota3A, %div3A_203 : vector<208x208xi32>
    %sign3A = arith.constant 0 : i32
    %sign3A_205 = vector.broadcast %sign3A : i32 to vector<208x208xi32>
    %sign3A_206 = arith.cmpi sgt, %iota3A, %sign3A_205 : vector<208x208xi32>
    %sign3A_207 = arith.extui %sign3A_206 : vector<208x208xi1> to vector<208x208xi32>
    %sign3A_208 = arith.constant 0 : i32
    %sign3A_209 = vector.broadcast %sign3A_208 : i32 to vector<208x208xi32>
    %sign3A_210 = arith.cmpi slt, %iota3A, %sign3A_209 : vector<208x208xi32>
    %sign3A_211 = arith.extui %sign3A_210 : vector<208x208xi1> to vector<208x208xi32>
    %sign3A_212 = arith.subi %sign3A_207, %sign3A_211 : vector<208x208xi32>
    %sign3A_213 = arith.constant 0 : i32
    %sign3A_214 = arith.cmpi sgt, %jit3A_202, %sign3A_213 : i32
    %sign3A_215 = arith.extui %sign3A_214 : i1 to i32
    %sign3A_216 = arith.constant 0 : i32
    %sign3A_217 = arith.cmpi slt, %jit3A_202, %sign3A_216 : i32
    %sign3A_218 = arith.extui %sign3A_217 : i1 to i32
    %sign3A_219 = arith.subi %sign3A_215, %sign3A_218 : i32
    %ne3A = vector.broadcast %sign3A_219 : i32 to vector<208x208xi32>
    %ne3A_220 = arith.cmpi ne, %sign3A_212, %ne3A : vector<208x208xi32>
    %rem3A = vector.broadcast %jit3A_202 : i32 to vector<208x208xi32>
    %rem3A_221 = arith.remsi %iota3A, %rem3A : vector<208x208xi32>
    %ne3A_222 = arith.constant 0 : i32
    %ne3A_223 = vector.broadcast %ne3A_222 : i32 to vector<208x208xi32>
    %ne3A_224 = arith.cmpi ne, %rem3A_221, %ne3A_223 : vector<208x208xi32>
    %and3A = arith.andi %ne3A_220, %ne3A_224 : vector<208x208xi1>
    %sub3A_225 = arith.constant 1 : i32
    %sub3A_226 = vector.broadcast %sub3A_225 : i32 to vector<208x208xi32>
    %sub3A_227 = arith.subi %div3A_204, %sub3A_226 : vector<208x208xi32>
    %select_n3A_228 = arith.select %and3A, %sub3A_227, %div3A_204 : vector<208x208xi1>, vector<208x208xi32>
    %jit3A_229 = arith.constant 26 : i32
    %div3A_230 = vector.broadcast %jit3A_229 : i32 to vector<208x208xi32>
    %div3A_231 = arith.divsi %iota3A_201, %div3A_230 : vector<208x208xi32>
    %sign3A_232 = arith.constant 0 : i32
    %sign3A_233 = vector.broadcast %sign3A_232 : i32 to vector<208x208xi32>
    %sign3A_234 = arith.cmpi sgt, %iota3A_201, %sign3A_233 : vector<208x208xi32>
    %sign3A_235 = arith.extui %sign3A_234 : vector<208x208xi1> to vector<208x208xi32>
    %sign3A_236 = arith.constant 0 : i32
    %sign3A_237 = vector.broadcast %sign3A_236 : i32 to vector<208x208xi32>
    %sign3A_238 = arith.cmpi slt, %iota3A_201, %sign3A_237 : vector<208x208xi32>
    %sign3A_239 = arith.extui %sign3A_238 : vector<208x208xi1> to vector<208x208xi32>
    %sign3A_240 = arith.subi %sign3A_235, %sign3A_239 : vector<208x208xi32>
    %sign3A_241 = arith.constant 0 : i32
    %sign3A_242 = arith.cmpi sgt, %jit3A_229, %sign3A_241 : i32
    %sign3A_243 = arith.extui %sign3A_242 : i1 to i32
    %sign3A_244 = arith.constant 0 : i32
    %sign3A_245 = arith.cmpi slt, %jit3A_229, %sign3A_244 : i32
    %sign3A_246 = arith.extui %sign3A_245 : i1 to i32
    %sign3A_247 = arith.subi %sign3A_243, %sign3A_246 : i32
    %ne3A_248 = vector.broadcast %sign3A_247 : i32 to vector<208x208xi32>
    %ne3A_249 = arith.cmpi ne, %sign3A_240, %ne3A_248 : vector<208x208xi32>
    %rem3A_250 = vector.broadcast %jit3A_229 : i32 to vector<208x208xi32>
    %rem3A_251 = arith.remsi %iota3A_201, %rem3A_250 : vector<208x208xi32>
    %ne3A_252 = arith.constant 0 : i32
    %ne3A_253 = vector.broadcast %ne3A_252 : i32 to vector<208x208xi32>
    %ne3A_254 = arith.cmpi ne, %rem3A_251, %ne3A_253 : vector<208x208xi32>
    %and3A_255 = arith.andi %ne3A_249, %ne3A_254 : vector<208x208xi1>
    %sub3A_256 = arith.constant 1 : i32
    %sub3A_257 = vector.broadcast %sub3A_256 : i32 to vector<208x208xi32>
    %sub3A_258 = arith.subi %div3A_231, %sub3A_257 : vector<208x208xi32>
    %select_n3A_259 = arith.select %and3A_255, %sub3A_258, %div3A_231 : vector<208x208xi1>, vector<208x208xi32>
    %eq3A_260 = arith.cmpi eq, %select_n3A_228, %select_n3A_259 : vector<208x208xi32>
    %jit3A_261 = arith.constant 0xFF800000 : f32
    %broadcast_in_dim3A_262 = vector.broadcast %jit3A_261 : f32 to vector<208x208xf32>
    %select_n3A_263 = arith.select %eq3A_260, %dot_general3A_91, %broadcast_in_dim3A_262 : vector<208x208xi1>, vector<208x208xf32>
    %convert_element_type3A = arith.sitofp %iota3A_201 : vector<208x208xi32> to vector<208x208xf32>
    %mul3A = arith.constant 208 : i32
    %mul3A_264 = arith.muli %arg0, %mul3A : i32
    %eq3A_265 = vector.broadcast %broadcast_in_dim3A : vector<208x1xf32> to vector<208x208xf32>
    %eq3A_266 = arith.cmpf oeq, %select_n3A_263, %eq3A_265 : vector<208x208xf32>
    %mul3A_267 = arith.mulf %exp3A, %div3A_200 : vector<208x1xf32>
    %swap3A = arith.constant 0 : index
    %swap3A_268 = arith.constant 0 : index
    %swap3A_269 = vector.load %arg5[%swap3A, %swap3A_268] : memref<208x10xf32, #tpu.memory_space<vmem>>, vector<208x1xf32>
    tpu.vector_store %arg5[%swap3A, %swap3A_268], %mul3A_267 {strides = array<i32>} : memref<208x10xf32, #tpu.memory_space<vmem>>, vector<208x1xf32>,
    %jit3A_270 = arith.constant 0.000000e+00 : f32
    %broadcast_in_dim3A_271 = vector.broadcast %jit3A_270 : f32 to vector<208x208xf32>
    %select_n3A_272 = arith.select %eq3A_266, %convert_element_type3A, %broadcast_in_dim3A_271 : vector<208x208xi1>, vector<208x208xf32>
    %reduce_sum3A = arith.constant dense<0.000000e+00> : vector<208xf32>
    %reduce_sum3A_273 = vector.multi_reduction <add>, %select_n3A_272, %reduce_sum3A [1] : vector<208x208xf32> to vector<208xf32>
    %broadcast_in_dim3A_274 = vector.shape_cast %reduce_sum3A_273 : vector<208xf32> to vector<208x1xf32>
    %convert_element_type3A_275 = arith.fptosi %broadcast_in_dim3A_274 : vector<208x1xf32> to vector<208x1xi32>
    %add3A_276 = vector.broadcast %mul3A_264 : i32 to vector<208x1xi32>
    %add3A_277 = arith.addi %convert_element_type3A_275, %add3A_276 : vector<208x1xi32>
    %swap3A_278 = arith.constant 0 : index
    %swap3A_279 = arith.constant 0 : index
    %swap3A_280 = vector.load %arg6[%swap3A_278, %swap3A_279] : memref<208x10xi32, #tpu.memory_space<vmem>>, vector<208x1xi32>
    tpu.vector_store %arg6[%swap3A_278, %swap3A_279], %add3A_277 {strides = array<i32>} : memref<208x10xi32, #tpu.memory_space<vmem>>, vector<208x1xi32>,
    %eq3A_281 = vector.broadcast %broadcast_in_dim3A_105 : vector<208x1xf32> to vector<208x208xf32>
    %eq3A_282 = arith.cmpf oeq, %select_n3A_263, %eq3A_281 : vector<208x208xf32>
    %mul3A_283 = arith.mulf %exp3A_171, %div3A_200 : vector<208x1xf32>
    %swap3A_284 = arith.constant 0 : index
    %swap3A_285 = arith.constant 1 : index
    %swap3A_286 = vector.load %arg5[%swap3A_284, %swap3A_285] : memref<208x10xf32, #tpu.memory_space<vmem>>, vector<208x1xf32>
    tpu.vector_store %arg5[%swap3A_284, %swap3A_285], %mul3A_283 {strides = array<i32>} : memref<208x10xf32, #tpu.memory_space<vmem>>, vector<208x1xf32>,
    %jit3A_287 = arith.constant 0.000000e+00 : f32
    %broadcast_in_dim3A_288 = vector.broadcast %jit3A_287 : f32 to vector<208x208xf32>
    %select_n3A_289 = arith.select %eq3A_282, %convert_element_type3A, %broadcast_in_dim3A_288 : vector<208x208xi1>, vector<208x208xf32>
    %reduce_sum3A_290 = arith.constant dense<0.000000e+00> : vector<208xf32>
    %reduce_sum3A_291 = vector.multi_reduction <add>, %select_n3A_289, %reduce_sum3A_290 [1] : vector<208x208xf32> to vector<208xf32>
    %broadcast_in_dim3A_292 = vector.shape_cast %reduce_sum3A_291 : vector<208xf32> to vector<208x1xf32>
    %convert_element_type3A_293 = arith.fptosi %broadcast_in_dim3A_292 : vector<208x1xf32> to vector<208x1xi32>
    %add3A_294 = vector.broadcast %mul3A_264 : i32 to vector<208x1xi32>
    %add3A_295 = arith.addi %convert_element_type3A_293, %add3A_294 : vector<208x1xi32>
    %swap3A_296 = arith.constant 0 : index
    %swap3A_297 = arith.constant 1 : index
    %swap3A_298 = vector.load %arg6[%swap3A_296, %swap3A_297] : memref<208x10xi32, #tpu.memory_space<vmem>>, vector<208x1xi32>
    tpu.vector_store %arg6[%swap3A_296, %swap3A_297], %add3A_295 {strides = array<i32>} : memref<208x10xi32, #tpu.memory_space<vmem>>, vector<208x1xi32>,
    %eq3A_299 = vector.broadcast %broadcast_in_dim3A_113 : vector<208x1xf32> to vector<208x208xf32>
    %eq3A_300 = arith.cmpf oeq, %select_n3A_263, %eq3A_299 : vector<208x208xf32>
    %mul3A_301 = arith.mulf %exp3A_173, %div3A_200 : vector<208x1xf32>
    %swap3A_302 = arith.constant 0 : index
    %swap3A_303 = arith.constant 2 : index
    %swap3A_304 = vector.load %arg5[%swap3A_302, %swap3A_303] : memref<208x10xf32, #tpu.memory_space<vmem>>, vector<208x1xf32>
    tpu.vector_store %arg5[%swap3A_302, %swap3A_303], %mul3A_301 {strides = array<i32>} : memref<208x10xf32, #tpu.memory_space<vmem>>, vector<208x1xf32>,
    %jit3A_305 = arith.constant 0.000000e+00 : f32
    %broadcast_in_dim3A_306 = vector.broadcast %jit3A_305 : f32 to vector<208x208xf32>
    %select_n3A_307 = arith.select %eq3A_300, %convert_element_type3A, %broadcast_in_dim3A_306 : vector<208x208xi1>, vector<208x208xf32>
    %reduce_sum3A_308 = arith.constant dense<0.000000e+00> : vector<208xf32>
    %reduce_sum3A_309 = vector.multi_reduction <add>, %select_n3A_307, %reduce_sum3A_308 [1] : vector<208x208xf32> to vector<208xf32>
    %broadcast_in_dim3A_310 = vector.shape_cast %reduce_sum3A_309 : vector<208xf32> to vector<208x1xf32>
    %convert_element_type3A_311 = arith.fptosi %broadcast_in_dim3A_310 : vector<208x1xf32> to vector<208x1xi32>
    %add3A_312 = vector.broadcast %mul3A_264 : i32 to vector<208x1xi32>
    %add3A_313 = arith.addi %convert_element_type3A_311, %add3A_312 : vector<208x1xi32>
    %swap3A_314 = arith.constant 0 : index
    %swap3A_315 = arith.constant 2 : index
    %swap3A_316 = vector.load %arg6[%swap3A_314, %swap3A_315] : memref<208x10xi32, #tpu.memory_space<vmem>>, vector<208x1xi32>
    tpu.vector_store %arg6[%swap3A_314, %swap3A_315], %add3A_313 {strides = array<i32>} : memref<208x10xi32, #tpu.memory_space<vmem>>, vector<208x1xi32>,
    %eq3A_317 = vector.broadcast %broadcast_in_dim3A_121 : vector<208x1xf32> to vector<208x208xf32>
    %eq3A_318 = arith.cmpf oeq, %select_n3A_263, %eq3A_317 : vector<208x208xf32>
    %mul3A_319 = arith.mulf %exp3A_175, %div3A_200 : vector<208x1xf32>
    %swap3A_320 = arith.constant 0 : index
    %swap3A_321 = arith.constant 3 : index
    %swap3A_322 = vector.load %arg5[%swap3A_320, %swap3A_321] : memref<208x10xf32, #tpu.memory_space<vmem>>, vector<208x1xf32>
    tpu.vector_store %arg5[%swap3A_320, %swap3A_321], %mul3A_319 {strides = array<i32>} : memref<208x10xf32, #tpu.memory_space<vmem>>, vector<208x1xf32>,
    %jit3A_323 = arith.constant 0.000000e+00 : f32
    %broadcast_in_dim3A_324 = vector.broadcast %jit3A_323 : f32 to vector<208x208xf32>
    %select_n3A_325 = arith.select %eq3A_318, %convert_element_type3A, %broadcast_in_dim3A_324 : vector<208x208xi1>, vector<208x208xf32>
    %reduce_sum3A_326 = arith.constant dense<0.000000e+00> : vector<208xf32>
    %reduce_sum3A_327 = vector.multi_reduction <add>, %select_n3A_325, %reduce_sum3A_326 [1] : vector<208x208xf32> to vector<208xf32>
    %broadcast_in_dim3A_328 = vector.shape_cast %reduce_sum3A_327 : vector<208xf32> to vector<208x1xf32>
    %convert_element_type3A_329 = arith.fptosi %broadcast_in_dim3A_328 : vector<208x1xf32> to vector<208x1xi32>
    %add3A_330 = vector.broadcast %mul3A_264 : i32 to vector<208x1xi32>
    %add3A_331 = arith.addi %convert_element_type3A_329, %add3A_330 : vector<208x1xi32>
    %swap3A_332 = arith.constant 0 : index
    %swap3A_333 = arith.constant 3 : index
    %swap3A_334 = vector.load %arg6[%swap3A_332, %swap3A_333] : memref<208x10xi32, #tpu.memory_space<vmem>>, vector<208x1xi32>
    tpu.vector_store %arg6[%swap3A_332, %swap3A_333], %add3A_331 {strides = array<i32>} : memref<208x10xi32, #tpu.memory_space<vmem>>, vector<208x1xi32>,
    %eq3A_335 = vector.broadcast %broadcast_in_dim3A_129 : vector<208x1xf32> to vector<208x208xf32>
    %eq3A_336 = arith.cmpf oeq, %select_n3A_263, %eq3A_335 : vector<208x208xf32>
    %mul3A_337 = arith.mulf %exp3A_177, %div3A_200 : vector<208x1xf32>
    %swap3A_338 = arith.constant 0 : index
    %swap3A_339 = arith.constant 4 : index
    %swap3A_340 = vector.load %arg5[%swap3A_338, %swap3A_339] : memref<208x10xf32, #tpu.memory_space<vmem>>, vector<208x1xf32>
    tpu.vector_store %arg5[%swap3A_338, %swap3A_339], %mul3A_337 {strides = array<i32>} : memref<208x10xf32, #tpu.memory_space<vmem>>, vector<208x1xf32>,
    %jit3A_341 = arith.constant 0.000000e+00 : f32
    %broadcast_in_dim3A_342 = vector.broadcast %jit3A_341 : f32 to vector<208x208xf32>
    %select_n3A_343 = arith.select %eq3A_336, %convert_element_type3A, %broadcast_in_dim3A_342 : vector<208x208xi1>, vector<208x208xf32>
    %reduce_sum3A_344 = arith.constant dense<0.000000e+00> : vector<208xf32>
    %reduce_sum3A_345 = vector.multi_reduction <add>, %select_n3A_343, %reduce_sum3A_344 [1] : vector<208x208xf32> to vector<208xf32>
    %broadcast_in_dim3A_346 = vector.shape_cast %reduce_sum3A_345 : vector<208xf32> to vector<208x1xf32>
    %convert_element_type3A_347 = arith.fptosi %broadcast_in_dim3A_346 : vector<208x1xf32> to vector<208x1xi32>
    %add3A_348 = vector.broadcast %mul3A_264 : i32 to vector<208x1xi32>
    %add3A_349 = arith.addi %convert_element_type3A_347, %add3A_348 : vector<208x1xi32>
    %swap3A_350 = arith.constant 0 : index
    %swap3A_351 = arith.constant 4 : index
    %swap3A_352 = vector.load %arg6[%swap3A_350, %swap3A_351] : memref<208x10xi32, #tpu.memory_space<vmem>>, vector<208x1xi32>
    tpu.vector_store %arg6[%swap3A_350, %swap3A_351], %add3A_349 {strides = array<i32>} : memref<208x10xi32, #tpu.memory_space<vmem>>, vector<208x1xi32>,
    %eq3A_353 = vector.broadcast %broadcast_in_dim3A_137 : vector<208x1xf32> to vector<208x208xf32>
    %eq3A_354 = arith.cmpf oeq, %select_n3A_263, %eq3A_353 : vector<208x208xf32>
    %mul3A_355 = arith.mulf %exp3A_179, %div3A_200 : vector<208x1xf32>
    %swap3A_356 = arith.constant 0 : index
    %swap3A_357 = arith.constant 5 : index
    %swap3A_358 = vector.load %arg5[%swap3A_356, %swap3A_357] : memref<208x10xf32, #tpu.memory_space<vmem>>, vector<208x1xf32>
    tpu.vector_store %arg5[%swap3A_356, %swap3A_357], %mul3A_355 {strides = array<i32>} : memref<208x10xf32, #tpu.memory_space<vmem>>, vector<208x1xf32>,
    %jit3A_359 = arith.constant 0.000000e+00 : f32
    %broadcast_in_dim3A_360 = vector.broadcast %jit3A_359 : f32 to vector<208x208xf32>
    %select_n3A_361 = arith.select %eq3A_354, %convert_element_type3A, %broadcast_in_dim3A_360 : vector<208x208xi1>, vector<208x208xf32>
    %reduce_sum3A_362 = arith.constant dense<0.000000e+00> : vector<208xf32>
    %reduce_sum3A_363 = vector.multi_reduction <add>, %select_n3A_361, %reduce_sum3A_362 [1] : vector<208x208xf32> to vector<208xf32>
    %broadcast_in_dim3A_364 = vector.shape_cast %reduce_sum3A_363 : vector<208xf32> to vector<208x1xf32>
    %convert_element_type3A_365 = arith.fptosi %broadcast_in_dim3A_364 : vector<208x1xf32> to vector<208x1xi32>
    %add3A_366 = vector.broadcast %mul3A_264 : i32 to vector<208x1xi32>
    %add3A_367 = arith.addi %convert_element_type3A_365, %add3A_366 : vector<208x1xi32>
    %swap3A_368 = arith.constant 0 : index
    %swap3A_369 = arith.constant 5 : index
    %swap3A_370 = vector.load %arg6[%swap3A_368, %swap3A_369] : memref<208x10xi32, #tpu.memory_space<vmem>>, vector<208x1xi32>
    tpu.vector_store %arg6[%swap3A_368, %swap3A_369], %add3A_367 {strides = array<i32>} : memref<208x10xi32, #tpu.memory_space<vmem>>, vector<208x1xi32>,
    %eq3A_371 = vector.broadcast %broadcast_in_dim3A_145 : vector<208x1xf32> to vector<208x208xf32>
    %eq3A_372 = arith.cmpf oeq, %select_n3A_263, %eq3A_371 : vector<208x208xf32>
    %mul3A_373 = arith.mulf %exp3A_181, %div3A_200 : vector<208x1xf32>
    %swap3A_374 = arith.constant 0 : index
    %swap3A_375 = arith.constant 6 : index
    %swap3A_376 = vector.load %arg5[%swap3A_374, %swap3A_375] : memref<208x10xf32, #tpu.memory_space<vmem>>, vector<208x1xf32>
    tpu.vector_store %arg5[%swap3A_374, %swap3A_375], %mul3A_373 {strides = array<i32>} : memref<208x10xf32, #tpu.memory_space<vmem>>, vector<208x1xf32>,
    %jit3A_377 = arith.constant 0.000000e+00 : f32
    %broadcast_in_dim3A_378 = vector.broadcast %jit3A_377 : f32 to vector<208x208xf32>
    %select_n3A_379 = arith.select %eq3A_372, %convert_element_type3A, %broadcast_in_dim3A_378 : vector<208x208xi1>, vector<208x208xf32>
    %reduce_sum3A_380 = arith.constant dense<0.000000e+00> : vector<208xf32>
    %reduce_sum3A_381 = vector.multi_reduction <add>, %select_n3A_379, %reduce_sum3A_380 [1] : vector<208x208xf32> to vector<208xf32>
    %broadcast_in_dim3A_382 = vector.shape_cast %reduce_sum3A_381 : vector<208xf32> to vector<208x1xf32>
    %convert_element_type3A_383 = arith.fptosi %broadcast_in_dim3A_382 : vector<208x1xf32> to vector<208x1xi32>
    %add3A_384 = vector.broadcast %mul3A_264 : i32 to vector<208x1xi32>
    %add3A_385 = arith.addi %convert_element_type3A_383, %add3A_384 : vector<208x1xi32>
    %swap3A_386 = arith.constant 0 : index
    %swap3A_387 = arith.constant 6 : index
    %swap3A_388 = vector.load %arg6[%swap3A_386, %swap3A_387] : memref<208x10xi32, #tpu.memory_space<vmem>>, vector<208x1xi32>
    tpu.vector_store %arg6[%swap3A_386, %swap3A_387], %add3A_385 {strides = array<i32>} : memref<208x10xi32, #tpu.memory_space<vmem>>, vector<208x1xi32>,
    %eq3A_389 = vector.broadcast %broadcast_in_dim3A_153 : vector<208x1xf32> to vector<208x208xf32>
    %eq3A_390 = arith.cmpf oeq, %select_n3A_263, %eq3A_389 : vector<208x208xf32>
    %mul3A_391 = arith.mulf %exp3A_183, %div3A_200 : vector<208x1xf32>
    %swap3A_392 = arith.constant 0 : index
    %swap3A_393 = arith.constant 7 : index
    %swap3A_394 = vector.load %arg5[%swap3A_392, %swap3A_393] : memref<208x10xf32, #tpu.memory_space<vmem>>, vector<208x1xf32>
    tpu.vector_store %arg5[%swap3A_392, %swap3A_393], %mul3A_391 {strides = array<i32>} : memref<208x10xf32, #tpu.memory_space<vmem>>, vector<208x1xf32>,
    %jit3A_395 = arith.constant 0.000000e+00 : f32
    %broadcast_in_dim3A_396 = vector.broadcast %jit3A_395 : f32 to vector<208x208xf32>
    %select_n3A_397 = arith.select %eq3A_390, %convert_element_type3A, %broadcast_in_dim3A_396 : vector<208x208xi1>, vector<208x208xf32>
    %reduce_sum3A_398 = arith.constant dense<0.000000e+00> : vector<208xf32>
    %reduce_sum3A_399 = vector.multi_reduction <add>, %select_n3A_397, %reduce_sum3A_398 [1] : vector<208x208xf32> to vector<208xf32>
    %broadcast_in_dim3A_400 = vector.shape_cast %reduce_sum3A_399 : vector<208xf32> to vector<208x1xf32>
    %convert_element_type3A_401 = arith.fptosi %broadcast_in_dim3A_400 : vector<208x1xf32> to vector<208x1xi32>
    %add3A_402 = vector.broadcast %mul3A_264 : i32 to vector<208x1xi32>
    %add3A_403 = arith.addi %convert_element_type3A_401, %add3A_402 : vector<208x1xi32>
    %swap3A_404 = arith.constant 0 : index
    %swap3A_405 = arith.constant 7 : index
    %swap3A_406 = vector.load %arg6[%swap3A_404, %swap3A_405] : memref<208x10xi32, #tpu.memory_space<vmem>>, vector<208x1xi32>
    tpu.vector_store %arg6[%swap3A_404, %swap3A_405], %add3A_403 {strides = array<i32>} : memref<208x10xi32, #tpu.memory_space<vmem>>, vector<208x1xi32>,
    %eq3A_407 = vector.broadcast %broadcast_in_dim3A_161 : vector<208x1xf32> to vector<208x208xf32>
    %eq3A_408 = arith.cmpf oeq, %select_n3A_263, %eq3A_407 : vector<208x208xf32>
    %mul3A_409 = arith.mulf %exp3A_185, %div3A_200 : vector<208x1xf32>
    %swap3A_410 = arith.constant 0 : index
    %swap3A_411 = arith.constant 8 : index
    %swap3A_412 = vector.load %arg5[%swap3A_410, %swap3A_411] : memref<208x10xf32, #tpu.memory_space<vmem>>, vector<208x1xf32>
    tpu.vector_store %arg5[%swap3A_410, %swap3A_411], %mul3A_409 {strides = array<i32>} : memref<208x10xf32, #tpu.memory_space<vmem>>, vector<208x1xf32>,
    %jit3A_413 = arith.constant 0.000000e+00 : f32
    %broadcast_in_dim3A_414 = vector.broadcast %jit3A_413 : f32 to vector<208x208xf32>
    %select_n3A_415 = arith.select %eq3A_408, %convert_element_type3A, %broadcast_in_dim3A_414 : vector<208x208xi1>, vector<208x208xf32>
    %reduce_sum3A_416 = arith.constant dense<0.000000e+00> : vector<208xf32>
    %reduce_sum3A_417 = vector.multi_reduction <add>, %select_n3A_415, %reduce_sum3A_416 [1] : vector<208x208xf32> to vector<208xf32>
    %broadcast_in_dim3A_418 = vector.shape_cast %reduce_sum3A_417 : vector<208xf32> to vector<208x1xf32>
    %convert_element_type3A_419 = arith.fptosi %broadcast_in_dim3A_418 : vector<208x1xf32> to vector<208x1xi32>
    %add3A_420 = vector.broadcast %mul3A_264 : i32 to vector<208x1xi32>
    %add3A_421 = arith.addi %convert_element_type3A_419, %add3A_420 : vector<208x1xi32>
    %swap3A_422 = arith.constant 0 : index
    %swap3A_423 = arith.constant 8 : index
    %swap3A_424 = vector.load %arg6[%swap3A_422, %swap3A_423] : memref<208x10xi32, #tpu.memory_space<vmem>>, vector<208x1xi32>
    tpu.vector_store %arg6[%swap3A_422, %swap3A_423], %add3A_421 {strides = array<i32>} : memref<208x10xi32, #tpu.memory_space<vmem>>, vector<208x1xi32>,
    %eq3A_425 = vector.broadcast %broadcast_in_dim3A_169 : vector<208x1xf32> to vector<208x208xf32>
    %eq3A_426 = arith.cmpf oeq, %select_n3A_263, %eq3A_425 : vector<208x208xf32>
    %mul3A_427 = arith.mulf %exp3A_187, %div3A_200 : vector<208x1xf32>
    %swap3A_428 = arith.constant 0 : index
    %swap3A_429 = arith.constant 9 : index
    %swap3A_430 = vector.load %arg5[%swap3A_428, %swap3A_429] : memref<208x10xf32, #tpu.memory_space<vmem>>, vector<208x1xf32>
    tpu.vector_store %arg5[%swap3A_428, %swap3A_429], %mul3A_427 {strides = array<i32>} : memref<208x10xf32, #tpu.memory_space<vmem>>, vector<208x1xf32>,
    %jit3A_431 = arith.constant 0.000000e+00 : f32
    %broadcast_in_dim3A_432 = vector.broadcast %jit3A_431 : f32 to vector<208x208xf32>
    %select_n3A_433 = arith.select %eq3A_426, %convert_element_type3A, %broadcast_in_dim3A_432 : vector<208x208xi1>, vector<208x208xf32>
    %reduce_sum3A_434 = arith.constant dense<0.000000e+00> : vector<208xf32>
    %reduce_sum3A_435 = vector.multi_reduction <add>, %select_n3A_433, %reduce_sum3A_434 [1] : vector<208x208xf32> to vector<208xf32>
    %broadcast_in_dim3A_436 = vector.shape_cast %reduce_sum3A_435 : vector<208xf32> to vector<208x1xf32>
    %convert_element_type3A_437 = arith.fptosi %broadcast_in_dim3A_436 : vector<208x1xf32> to vector<208x1xi32>
    %add3A_438 = vector.broadcast %mul3A_264 : i32 to vector<208x1xi32>
    %add3A_439 = arith.addi %convert_element_type3A_437, %add3A_438 : vector<208x1xi32>
    %swap3A_440 = arith.constant 0 : index
    %swap3A_441 = arith.constant 9 : index
    %swap3A_442 = vector.load %arg6[%swap3A_440, %swap3A_441] : memref<208x10xi32, #tpu.memory_space<vmem>>, vector<208x1xi32>
    tpu.vector_store %arg6[%swap3A_440, %swap3A_441], %add3A_439 {strides = array<i32>} : memref<208x10xi32, #tpu.memory_space<vmem>>, vector<208x1xi32>,
    return
  }
  func.func @transform_0(%arg0: i32) -> (i32, i32, i32) {
    %c0_i32 = arith.constant 0 : i32
    %c0_i32_0 = arith.constant 0 : i32
    %c0_i32_1 = arith.constant 0 : i32
    return %arg0, %c0_i32, %c0_i32_0 : i32, i32, i32
  }
  func.func @transform_1(%arg0: i32) -> (i32, i32, i32) {
    %c0_i32 = arith.constant 0 : i32
    %c0_i32_0 = arith.constant 0 : i32
    %c0_i32_1 = arith.constant 0 : i32
    return %arg0, %c0_i32, %c0_i32_0 : i32, i32, i32
  }
  func.func @transform_2(%arg0: i32) -> (i32, i32) {
    %c0_i32 = arith.constant 0 : i32
    %c0_i32_0 = arith.constant 0 : i32
    %c0_i32_1 = arith.constant 0 : i32
    return %c0_i32, %c0_i32_0 : i32, i32
  }
  func.func @transform_3(%arg0: i32) -> (i32, i32) {
    %c0_i32 = arith.constant 0 : i32
    %c0_i32_0 = arith.constant 0 : i32
    %c0_i32_1 = arith.constant 0 : i32
    return %c0_i32, %c0_i32_0 : i32, i32
  }
  func.func @transform_4(%arg0: i32) -> (i32, i32) {
    %c0_i32 = arith.constant 0 : i32
    %c0_i32_0 = arith.constant 0 : i32
    return %arg0, %c0_i32 : i32, i32
  }
  func.func @transform_5(%arg0: i32) -> (i32, i32) {
    %c0_i32 = arith.constant 0 : i32
    %c0_i32_0 = arith.constant 0 : i32
    return %arg0, %c0_i32 : i32, i32
  }
}

</mosaic_0001>

<sc_bundles>
// kernel: kernel.4.cloned.1.call-start
scs
__scs_entry_jumppad:
0x0: {  	(pc) =	sbr.rel $0x88, $3  }
0x1: {  	(tag) =	ssettag $0x0;
	lr =	simm.s32 $0x1  }
0x2: {  	[smem:$0x3F9D] =	sst lr;
	_ =	strace $0xD0000000  }
0x3: {  	_ = 	snop  }
0x4: {  	_ = 	snop  }
0x5: {  	_ = 	snop  }
0x6: {  	_ = 	snop  }
0x7: {  	_ = 	snop  }
__scs_overlays_trampoline_lowered:
0x8: {  	[smem:$0x3FAC] =	sst s0  }
0x9: {  	[smem:$0x3FAD] =	sst s1  }
0xa: {  	[smem:$0x3FAE] =	sst s2  }
0xb: {  	[smem:$0x3FAF] =	sst s3  }
0xc: {  	[smem:$0x3FB0] =	sst s4  }
0xd: {  	[smem:$0x3FB1] =	sst s5  }
0xe: {  	[smem:$0x3FB2] =	sst s6  }
0xf: {  	[smem:$0x3FB3] =	sst s7  }
0x10: {  	[smem:$0x3FB4] =	sst s8  }
0x11: {  	[smem:$0x3FB5] =	sst s9;
	s0 =	simm.s32 @!p0 $0x0  }
0x12: {  	s1 =	sld [smem:$0x3F9B];
	s0 =	simm.s32 @p0 $0x1  }
0x13: {  	[smem:$0x3FB6] =	sst s0;
	s0 =	simm.s32 @!p1 $0x0  }
0x14: {  	s2 =	sld [smem:$0x3F9A];
	s0 =	simm.s32 @p1 $0x1  }
0x15: {  	[smem:$0x3FB7] =	sst s0;
	s0 =	simm.s32 @!p2 $0x0  }
0x16: {  	s3 =	sld [smem:$0x3FDB];
	s0 =	simm.s32 @p2 $0x1  }
0x17: {  	s4 =	simm.s32 $0x1BF5;
	[smem:$0x3FB9] =	sst s0  }
0x18: {  	s0 =	sld [smem:$0x3F9C];
	_ =	swait.ge [sflag:s4], $0x0  }
0x19: {  	s7 =	sld [smem:$0x3F9D]  }
0x1a: {  	s8 =	sadd.s32 $0xFFFFE003, lr  }
0x1b: {  	s9 =	sadd.s32 $0xFFFFFEF7, lr;
	s5 =	simm.s32 $0xFFFFFFFF;
	p2 =	slt.u32 s8, $0xFFFFF086  }
0x1c: {  	p1 =	slt.u32 s9, $0xF7A;
	s5 =	simm.s32 @!p2 $0x0  }
0x1d: {  	s5 =	simm.s32 @p1 $0x1;
	p0 =	seq.s32 s7, s2  }
0x1e: {  	s7 =	smul.u32 @!p0 $0xF7A, s2;
	p2 =	seq.s32 @!p0 s5, $0x0  }
0x1f: {  	s9 =	smul.u32 $0xF7A, s1;
	s8 =	simm.s32 @!p0 $0x1BF5;
	p2 =	por !p2, p0  }
0x20: {  	[sflag:s8] =	ssyncset.s32 @!p0 $0xFFFFF086;
	s6 =	sadd.s32 @!p0 s3, s7;
	s7 =	simm.s32 @!p0 $0x108  }
0x21: {  	s3 =	sadd.s32 s3, s9;
	s6 =	sadd.s32 @!p0 $0x88, s6;
	s7 =	simm.s32 @p2 $0x1082  }
0x22: {  	[simem:s7], [sflag:s8] =	dma.local @!p0 [hbm:s6], $0xF7A  }
0x23: {  	s9 =	sor.u32 $0xD0000000, s2;
	s6 =	simm.s32 $0x108;
	_ =	swait.ge @!p0 [sflag:s8], $0x0  }
0x24: {  	s3 =	sadd.s32 $0x88, s3;
	s6 =	simm.s32 @!p1 $0x1082;
	[sflag:s4] =	ssyncset.s32 $0xFFFFF086  }
0x25: {  	[simem:s6], [sflag:s4] =	dma.local [hbm:s3], $0xF7A  }
0x26: {  	[smem:$0x3F9D] =	sst s1;
	(tag) =	ssettag s2;
	_ =	strace s9  }
0x27: {  	s1 =	sld [smem:$0x3FAD]  }
0x28: {  	s2 =	sld [smem:$0x3FAE]  }
0x29: {  	s4 =	sld [smem:$0x3FB0]  }
0x2a: {  	p0 =	seq.s32 s5, $0x0;
	s5 =	sld [smem:$0x3FB1]  }
0x2b: {  	s6 =	sld [smem:$0x3FB2]  }
0x2c: {  	s7 =	sld [smem:$0x3FB3]  }
0x2d: {  	s3 =	simm.s32 $0x108;
	s8 =	sld [smem:$0x3FB4]  }
0x2e: {  	s3 =	simm.s32 @!p0 $0x1082;
	s9 =	sld [smem:$0x3FB5]  }
0x2f: {  	lr =	sadd.s32 s0, s3;
	s0 =	sld [smem:$0x3FAC]  }
0x30: {  	s3 =	sld [smem:$0x3FAF]  }
0x31: {  	[smem:$0x3FB8] =	sst s10  }
0x32: {  	s10 =	sld [smem:$0x3FB6];
	_ =	sdelay $0x3  }
0x33: {  	p0 =	seq.s32 s10, $0x1;
	s10 =	sld [smem:$0x3FB8];
	_ =	sdelay $0x3  }
0x34: {  	[smem:$0x3FB8] =	sst s10  }
0x35: {  	s10 =	sld [smem:$0x3FB7];
	_ =	sdelay $0x3  }
0x36: {  	p1 =	seq.s32 s10, $0x1;
	s10 =	sld [smem:$0x3FB8];
	_ =	sdelay $0x3  }
0x37: {  	[smem:$0x3FB8] =	sst s10  }
0x38: {  	s10 =	sld [smem:$0x3FB9]  }
0x39: {  	_ = 	snop;
	(pc) =	sbr.ind lr, $3  }
0x3a: {  	_ = 	snop  }
0x3b: {  	_ = 	snop  }
0x3c: {  	p2 =	seq.s32 s10, $0x1;
	s10 =	sld [smem:$0x3FB8]  }
0x3d: {  	_ =	shalt  }
0x3e: {  	_ =	shalt  }
0x3f: {  	_ =	shalt  }
0x40: {  	_ =	shalt  }
0x41: {  	_ =	shalt  }
0x42: {  	_ =	shalt  }
0x43: {  	_ =	shalt  }
0x44: {  	_ =	shalt  }
0x45: {  	_ =	shalt  }
0x46: {  	_ =	shalt  }
0x47: {  	_ =	shalt  }
0x48: {  	_ =	shalt  }
0x49: {  	_ =	shalt  }
0x4a: {  	_ =	shalt  }
0x4b: {  	_ =	shalt  }
0x4c: {  	_ =	shalt  }
0x4d: {  	_ =	shalt  }
0x4e: {  	_ =	shalt  }
0x4f: {  	_ =	shalt  }
0x50: {  	_ =	shalt  }
0x51: {  	_ =	shalt  }
0x52: {  	_ =	shalt  }
0x53: {  	_ =	shalt  }
0x54: {  	_ =	shalt  }
0x55: {  	_ =	shalt  }
0x56: {  	_ =	shalt  }
0x57: {  	_ =	shalt  }
0x58: {  	_ =	shalt  }
0x59: {  	_ =	shalt  }
0x5a: {  	_ =	shalt  }
0x5b: {  	_ =	shalt  }
0x5c: {  	_ =	shalt  }
0x5d: {  	_ =	shalt  }
0x5e: {  	_ =	shalt  }
0x5f: {  	_ =	shalt  }
0x60: {  	_ =	shalt  }
0x61: {  	_ =	shalt  }
0x62: {  	_ =	shalt  }
0x63: {  	_ =	shalt  }
0x64: {  	_ =	shalt  }
0x65: {  	_ =	shalt  }
0x66: {  	_ =	shalt  }
0x67: {  	_ =	shalt  }
0x68: {  	_ =	shalt  }
0x69: {  	_ =	shalt  }
0x6a: {  	_ =	shalt  }
0x6b: {  	_ =	shalt  }
0x6c: {  	_ =	shalt  }
0x6d: {  	_ =	shalt  }
0x6e: {  	_ =	shalt  }
0x6f: {  	_ =	shalt  }
0x70: {  	_ =	shalt  }
0x71: {  	_ =	shalt  }
0x72: {  	_ =	shalt  }
0x73: {  	_ =	shalt  }
0x74: {  	_ =	shalt  }
0x75: {  	_ =	shalt  }
0x76: {  	_ =	shalt  }
0x77: {  	_ =	shalt  }
0x78: {  	_ =	shalt  }
0x79: {  	_ =	shalt  }
0x7a: {  	_ =	shalt  }
0x7b: {  	_ =	shalt  }
0x7c: {  	_ =	shalt  }
0x7d: {  	_ =	shalt  }
0x7e: {  	_ =	shalt  }
0x7f: {  	_ =	shalt  }
0x80: {  	_ =	shalt  }
0x81: {  	_ =	shalt  }
0x82: {  	_ =	shalt  }
0x83: {  	_ =	shalt  }
0x84: {  	_ =	shalt  }
0x85: {  	_ =	shalt  }
0x86: {  	_ =	shalt  }
0x87: {  	_ =	shalt  }
.Lfunc_end0:
.L_simem_size_0:
called_computation_lowered:
.L_overlay_start_0:
0x88: {  	s2 =	sld [smem:$0x3FD9]  }
0x89: {  	s3 =	sld [smem:$0x3FFE];
	_ =	sdelay $0x1  }
0x8a: {  	s1 =	srdreg.scid  }
0x8b: {  	s0 =	sand.u32 $0x1, s1  }
0x8c: {  	s17 =	sshll.u32 s0, $0xA;
	s2 =	sadd.s32 s3, s2  }
0x8d: {  	s2 =	sadd.s32 s2, s17  }
0x8e: {  	[smem:$0x3FC4] =	sst s2  }
0x8f: {  	_ = 	snop  }
0x90: {  	s2 =	sld [smem:$0x3FD0];
	(tm) =	ssettm $0x1  }
0x91: {  	s18 =	sld [smem:$0x3FFB];
	_ =	sdelay $0x3  }
0x92: {  	_ =	strace s18  }
0x93: {  	s3 =	sld [smem:$0x3FFC];
	_ =	sdelay $0x3  }
0x94: {  	_ =	strace s3  }
0x95: {  	s3 =	sld [smem:$0x3FFD];
	_ =	sdelay $0x3  }
0x96: {  	_ =	strace s3  }
0x97: {  	_ =	strace $0x8FFFFFFF  }
0x98: {  	s19 =	sld [smem:$0x3FDB];
	_ =	sdelay $0x1  }
0x99: {  	s4 =	simm.s32 $_scs_section_size  }
0x9a: {  	s5 =	simm.s32 $_size__tile_overlayer_lowered;
	s6 =	simm.s32 $_tile_overlayer_lowered  }
0x9b: {  	s22 =	simm.s32 $0x1BFF;
	s21 =	sshll.u32 s6, $0x1;
	s3 =	sadd.s32 s4, s19  }
0x9c: {  	s7 =	simm.s32 $0x0;
	s20 =	sshll.u32 s5, $0x1;
	s5 =	sadd.s32 s21, s3  }
0x9d: {  	[timem:s7], [sflag:s22] =	dma.local [hbm:s5], s20  }
0x9e: {  	_ =	swait.ge [sflag:s22], s20  }
0x9f: {  	s4 =	ssub.s32 $0x0, s20;
	[sflag:s22] =	ssyncset.done $0x0  }
0xa0: {  	[sflag:s22] =	ssyncadd.s32 s4;
	_ =	sdelay $0x1  }
0xa1: {  	s23 =	simm.s32 $0x1B8B  }
0xa2: {  	_ =	swait.ge [sflag:s23], $0x1  }
0xa3: {  	[sflag:s23] =	ssyncset.done $0x0  }
0xa4: {  	s25 =	simm.s32 $0x1B8E;
	s24 =	sld [smem:$0x3FFE];
	[sflag:s23] =	ssyncadd.s32 $0xFFFFFFFF  }
0xa5: {  	s26 =	simm.s32 $execute0_lowered;
	[smem:$0x3FD2] =	sst s25  }
0xa6: {  	s5 =	sshll.u32 s26, $0x1;
	_ =	strace $0x80000046;
	[dreg:$0x1] =	wrdreg $0xFFFFFFFF  }
0xa7: {  	s28 =	simm.s32 $_size_execute0_lowered;
	s3 =	sadd.s32 s3, s5;
	[dreg:$0x0] =	wrdreg $0x0  }
0xa8: {  	s5 =	sshll.u32 s28, $0x1;
	[dreg:$0x2] =	wrdreg s3  }
0xa9: {  	[dreg:$0x3] =	wrdreg s5  }
0xaa: {  	[dreg:$0x4] =	wrdreg $0xC0  }
0xab: {  	_ =	task [dreg:s7], $0x5FFFF  }
0xac: {  	[dreg:$0x1] =	wrdreg $0xFFFFFFFF  }
0xad: {  	[dreg:$0x0] =	wrdreg $0x60  }
0xae: {  	[dreg:$0x2] =	wrdreg s2  }
0xaf: {  	[dreg:$0x3] =	wrdreg s24  }
0xb0: {  	[dreg:$0x4] =	wrdreg $0x9  }
0xb1: {  	_ =	task.clear_ibuf [dreg:s7], $0x5FFFF;
	_ =	strace $0x90000046  }
0xb2: {  	s29 =	simm.s32 $0x9;
	_ =	strace $0x80000048  }
0xb3: {  	_ =	swait.ge [sflag:s29], $0x1  }
0xb4: {  	[sflag:s29] =	ssyncadd.s32 $0xFFFFFFFF  }
0xb5: {  	_ =	strace $0x90000048  }
0xb6: {  	_ =	sfence  }
0xb7: {  	s30 =	sld [smem:$0x0];
	_ =	sdelay $0x2  }
0xb8: {  	s31 =	sshll.u32 s1, $0xD;
	s1 =	sshrl.u32 s1, $0x2  }
0xb9: {  	s3 =	sand.u32 $0x4000, s31;
	s1 =	sadd.s32 s1, s30  }
0xba: {  	s0 =	sor.u32 s3, s0;
	s1 =	sshll.u32 s1, $0x11  }
0xbb: {  	s0 =	sor.u32 s1, s0  }
0xbc: {  	s0 =	sadd.s32 $0x8F2B, s0  }
0xbd: {  	[sflag:s0] =	ssyncadd.remote.s32 $0x1  }
0xbe: {  	_ =	sfence.sel $0xFFFF  }
0xbf: {  	[dreg:$0x0] =	wrdreg $0xFFFFFFFF;
	(pc) =	sbr.abs _section_cstart, $3  }
0xc0: {  	[dreg:$0x1] =	wrdreg $0xFFFFFFFF  }
0xc1: {  	_ =	task.clear_ibuf [dreg:s7], $0x2FFFF;
	_ =	strace $0x9FFFFFFF  }
0xc2: {  	(tm) =	ssettm $0x7FFFFFFF  }
0xc3: {  	_ =	shalt  }
tec
execute0_lowered:
.L_overlay_start_1:
0x0: {  	(tag) =	ssettag $0x1  }
0x1: {  	s1 =	rddreg [dreg:$0x0]  }
0x2: {  	s4 =	rddreg [dreg:$0x1]  }
0x3: {  	s0 =	rddreg [dreg:$0x2]  }
0x4: {  	s2 =	simm.s32 $0x0;
	s5 =	srdreg.scid;
	s11 =	simm.s32 $0x400  }
0x5: {  	s12 =	simm.s32 $0x2;
	s13 =	simm.s32 $0x180;
	s14 =	simm.s32 $0x8580  }
0x6: {  	s15 =	simm.s32 $0x9580;
	s16 =	simm.s32 $0xD580;
	s17 =	simm.s32 $0x4  }
0x7: {  	s18 =	simm.s32 $0x100;
	s19 =	simm.s32 $0x11580;
	s20 =	simm.s32 $0x1  }
0x8: {  	s21 =	simm.s32 $0x11980;
	s22 =	simm.s32 $0x0;
	[smem:$0x7FF] =	sst s2  }
0x9: {  	s3 =	sadd.s32 $0x80E00, s4;
	s8 =	sand.u32 $0x1, s5;
	s5 =	sadd.s32 $0xE8E00, s4  }
0xa: {  	s6 =	sadd.s32 $0xE00, s4;
	s7 =	sadd.s32 $0x508E00, s4;
	s9 =	ssub.s32 $0x2, s8  }
0xb: {  	s4 =	stileid.u32;
	_ =	strace $0x80000047;
	s10 =	sshrl.u32 s9, $0x1  }
0xc: {  	s31 =	sshll.u32 s4, $0x6;
	s8 =	sshll.u32 s8, $0x5;
	s9 =	ssub.s32 s9, s10  }
0xd: {  	v11 =	vimm.s32 $0x0;
	s8 =	sor.u32 s8, s31;
	s10 =	simm.s32 $0x80;
	s9 =	smax.u32 s9, $0x1  }
.LBB2_1:
0xe: {  	s23 =	simm.s32 $0x0  }
.LBB2_2:
0xf: {  	s25 =	sadd.s32 s8, s23  }
0x10: {  	s24 =	sshrl.u32 s25, $0x3  }
0x11: {  	s26 =	sshll.u32 s23, $0x7;
	s24 =	smul.u32 $0xC00, s24  }
0x12: {  	s26 =	sand.u32 $0x380, s26  }
0x13: {  	s24 =	sor.u32 s26, s24  }
0x14: {  	s24 =	sshrl.u32 s24, $0x3  }
0x15: {  	s31 =	simm.s32 $0x0;
	s24 =	sadd.s32 s6, s24  }
0x16: {  	[tilespmem:s31], [sflag:$0x2] =	stream.strided.gather [hbm4b:s24+s10], $0x180, s11, s10, $0x38;
	[tilespmem:$0x19D80] =	vst v63  }
0x17: {  	s24 =	smul.u32 $0x1080, s25;
	_ =	swait.ge [sflag:s12], $0x180  }
0x18: {  	[sflag:s12] =	ssyncset.done $0x0  }
0x19: {  	s28 =	sadd.s32 s5, s24;
	[sflag:s12] =	ssyncadd.s32 $0xFFFFFE80  }
0x1a: {  	[tilespmem:s13], [sflag:$0x2] =	stream.linear.gather [hbm4b:s28+s31], $0x8200, $0x38;
	[tilespmem:$0x19D80] =	vst v63  }
0x1b: {  	_ =	swait.ge [sflag:s12], $0x8200  }
0x1c: {  	s25 =	sshll.u32 s25, $0x9;
	[sflag:s12] =	ssyncset.done $0x0  }
0x1d: {  	s25 =	sadd.s32 s1, s25;
	[sflag:s12] =	ssyncadd.s32 $0xFFFF7E00  }
0x1e: {  	[tilespmem:s14], [sflag:$0x2] =	stream.linear.gather [hbm4b:s25+s31], $0xD00, $0x38;
	[tilespmem:$0x19D80] =	vst v63  }
0x1f: {  	_ =	swait.ge [sflag:s12], $0xD00  }
0x20: {  	[sflag:s12] =	ssyncset.done $0x0  }
0x21: {  	[sflag:s12] =	ssyncadd.s32 $0xFFFFF300  }
0x22: {  	[tilespmem:s15], [sflag:$0x1] =	stream.indirect.gather [hbm4b:s3+s10], $0x80, s31, s10, $0xb8;
	[tilespmem:$0x19D80] =	vst v63  }
0x23: {  	_ = 	snop  }
0x24: {  	[tilespmem:s16], [sflag:$0x1] =	stream.indirect.gather [hbm4b:s3+s10], $0x80, s10, s10, $0xb8;
	[tilespmem:$0x19D80] =	vst v63  }
0x25: {  	_ = 	snop  }
0x26: {  	[tilespmem:s19], [sflag:$0x1] =	stream.indirect.gather [hbm4b:s3+s17], $0x80, s18, s17, $0xb8;
	[tilespmem:$0x19D80] =	vst v63  }
0x27: {  	_ =	swait.ge [sflag:s20], $0x4000  }
0x28: {  	[sflag:s20] =	ssyncset.done $0x0  }
0x29: {  	[sflag:s20] =	ssyncadd.s32 $0xFFFFC000  }
0x2a: {  	_ =	swait.ge [sflag:s20], $0x4000  }
0x2b: {  	[sflag:s20] =	ssyncset.done $0x0  }
0x2c: {  	[sflag:s20] =	ssyncadd.s32 $0xFFFFC000  }
0x2d: {  	_ =	swait.ge [sflag:s20], $0x200  }
0x2e: {  	[sflag:s20] =	ssyncset.done $0x0  }
0x2f: {  	s28 =	simm.s32 $0x0;
	[sflag:s20] =	ssyncadd.s32 $0xFFFFFE00  }
0x30: {  	v0 =	vld [tilespmem:s28+$0x9580]  }
0x31: {  	v2 =	vld [tilespmem:s28+$0x9670]  }
0x32: {  	v1 =	vld [tilespmem:s28+$0x9590]  }
0x33: {  	v5 =	vld [tilespmem:s28+$0x95A0]  }
0x34: {  	v7 =	vld [tilespmem:s28+$0x95B0]  }
0x35: {  	v17 =	vld [tilespmem:s28+$0x95C0]  }
0x36: {  	[tilespmem:$0x1FBC0] =	vst v2;
	v2 =	vld.msk [tilespmem:s28+$0x600], $0x1  }
0x37: {  	v4 =	vld.msk [tilespmem:s28+$0x180], $0x1  }
0x38: {  	s26 =	simm.s32 $0x85C0;
	v8 =	vld [tilespmem:s28+$0x9A70]  }
0x39: {  	v9 =	vld [tilespmem:s26+$0x30]  }
0x3a: {  	v6 =	vld [tilespmem:s26+$0xFFFFFFC0]  }
0x3b: {  	v30 =	vimm.s32 $0x0;
	v27 =	vld [tilespmem:s26+$0xFFFFFFD0];
	v21 =	vperm.xlane v2, v11  }
0x3c: {  	v28 =	vld [tilespmem:s26+$0xFFFFFFE0];
	v11 =	vperm.xlane v4, v30  }
0x3d: {  	v23 =	vld [tilespmem:s26+$0x0];
	v18 =	vmul.f32 v21, v8  }
0x3e: {  	v52 =	vld [tilespmem:s26+$0x10];
	v0 =	vmul.f32 v11, v0  }
0x3f: {  	v32 =	vld [tilespmem:s26+$0x20];
	v1 =	vmul.f32 v11, v1;
	v29 =	vmul.f32 v18, v9  }
0x40: {  	v8 =	vld [tilespmem:s26+$0xFFFFFFF0];
	v5 =	vmul.f32 v11, v5;
	v0 =	vmul.f32 v0, v6  }
0x41: {  	s25 =	simm.s32 $0x500;
	v1 =	vmul.f32 v1, v27;
	[tilespmem:s28+$0x11E70] =	vst v29;
	v29 =	vld [tilespmem:s28+$0x9A50]  }
0x42: {  	v5 =	vmul.f32 v5, v28;
	v48 =	vld [tilespmem:s25+$0x9580];
	[tilespmem:s28+$0x11980] =	vst v0  }
0x43: {  	v56 =	vld [tilespmem:s25+$0x9590];
	[tilespmem:s28+$0x11990] =	vst v1  }
0x44: {  	v7 =	vmul.f32 v11, v7;
	v1 =	vld [tilespmem:s25+$0x95A0];
	[tilespmem:s28+$0x119A0] =	vst v5  }
0x45: {  	v2 =	vld [tilespmem:s25+$0x95B0]  }
0x46: {  	v7 =	vmul.f32 v7, v8;
	_ =	sdelay $0x1  }
0x47: {  	v19 =	vld [tilespmem:s28+$0x95E0];
	[tilespmem:s28+$0x119B0] =	vst v7  }
0x48: {  	v0 =	vld.msk [tilespmem:s28+$0x580], $0x1;
	[tilespmem:$0x1FBD0] =	vst v1;
	v1 =	vmul.f32 v11, v17  }
0x49: {  	v29 =	vmul.f32 v21, v29;
	[tilespmem:$0x1FBE0] =	vst v2;
	v2 =	vld [tilespmem:s25+$0x95C0]  }
0x4a: {  	v1 =	vmul.f32 v1, v23  }
0x4b: {  	v29 =	vmul.f32 v29, v52;
	v17 =	vld [tilespmem:s28+$0x9A60]  }
0x4c: {  	v5 =	vld [tilespmem:s28+$0x99E0];
	[tilespmem:s28+$0x119C0] =	vst v1  }
0x4d: {  	v7 =	vperm.xlane v0, v30;
	v0 =	vld [tilespmem:s25+$0x95D0];
	[tilespmem:s28+$0x11E50] =	vst v29  }
0x4e: {  	v19 =	vmul.f32 v11, v19;
	[tilespmem:$0x1FBF0] =	vst v2;
	v2 =	vld [tilespmem:s25+$0x95E0];
	_ =	sdelay $0x1  }
0x4f: {  	v1 =	vmul.f32 v21, v17;
	v17 =	vmul.f32 v19, v32  }
0x50: {  	v31 =	vld.msk [tilespmem:s28+$0x500], $0x1  }
0x51: {  	v33 =	vld [tilespmem:s28+$0x99D0];
	[tilespmem:s28+$0x119E0] =	vst v17  }
0x52: {  	v29 =	vmul.f32 v7, v5;
	[tilespmem:$0x1FC10] =	vst v2;
	v2 =	vld [tilespmem:s25+$0x95F0]  }
0x53: {  	v1 =	vmul.f32 v1, v32  }
0x54: {  	v54 =	vld [tilespmem:s28+$0x9950];
	v29 =	vmul.f32 v29, v32;
	[tilespmem:$0x1FC00] =	vst v0  }
0x55: {  	v0 =	vld [tilespmem:s28+$0x9960];
	[tilespmem:s28+$0x11E60] =	vst v1  }
0x56: {  	v1 =	vld [tilespmem:s25+$0x9600];
	[tilespmem:s28+$0x11DE0] =	vst v29  }
0x57: {  	v5 =	vperm.xlane v31, v30;
	v31 =	vmul.f32 v7, v33;
	[tilespmem:$0x1FC20] =	vst v2;
	v2 =	vld [tilespmem:s25+$0x9610];
	_ =	sdelay $0x1  }
0x58: {  	v31 =	vmul.f32 v31, v52  }
0x59: {  	v3 =	vld.msk [tilespmem:s28+$0x480], $0x1  }
0x5a: {  	v17 =	vld [tilespmem:s28+$0x98E0];
	v0 =	vmul.f32 v5, v0;
	[tilespmem:s28+$0x11DD0] =	vst v31  }
0x5b: {  	v19 =	vmul.f32 v5, v54;
	[tilespmem:$0x1FC40] =	vst v2;
	v2 =	vld [tilespmem:s25+$0x9620]  }
0x5c: {  	v26 =	vld.msk [tilespmem:s28+$0x400], $0x1;
	v0 =	vmul.f32 v0, v32  }
0x5d: {  	v19 =	vmul.f32 v19, v52;
	v29 =	vld [tilespmem:s28+$0x9860];
	[tilespmem:$0x1FC30] =	vst v1  }
0x5e: {  	v50 =	vperm.xlane v3, v30;
	v1 =	vld [tilespmem:s28+$0x98D0];
	[tilespmem:s28+$0x11D60] =	vst v0  }
0x5f: {  	v0 =	vld [tilespmem:s25+$0x9630];
	[tilespmem:s28+$0x11D50] =	vst v19  }
0x60: {  	v17 =	vmul.f32 v50, v17;
	[tilespmem:$0x1FC60] =	vst v2;
	v2 =	vld [tilespmem:s25+$0x9640];
	_ =	sdelay $0x1  }
0x61: {  	v17 =	vmul.f32 v17, v32  }
0x62: {  	v24 =	vld.msk [tilespmem:s28+$0x380], $0x1;
	v41 =	vperm.xlane v26, v30  }
0x63: {  	v59 =	vld [tilespmem:s28+$0x9850];
	v1 =	vmul.f32 v50, v1;
	[tilespmem:s28+$0x11CE0] =	vst v17  }
0x64: {  	v26 =	vmul.f32 v41, v29;
	[tilespmem:$0x1FCA0] =	vst v2;
	v2 =	vld [tilespmem:s25+$0x9650]  }
0x65: {  	v1 =	vmul.f32 v1, v52  }
0x66: {  	v26 =	vmul.f32 v26, v32;
	[tilespmem:$0x1FC80] =	vst v0;
	v0 =	vld [tilespmem:s28+$0x97E0]  }
0x67: {  	[tilespmem:s28+$0x11CD0] =	vst v1  }
0x68: {  	v31 =	vld [tilespmem:s25+$0x9660];
	[tilespmem:s28+$0x11C60] =	vst v26  }
0x69: {  	v34 =	vperm.xlane v24, v30;
	v24 =	vmul.f32 v41, v59;
	[tilespmem:$0x1FCC0] =	vst v2;
	v2 =	vld [tilespmem:s25+$0x9670]  }
0x6a: {  	v25 =	vld [tilespmem:s28+$0x97D0]  }
0x6b: {  	v60 =	vld.msk [tilespmem:s28+$0x300], $0x1;
	v29 =	vmul.f32 v24, v52;
	v0 =	vmul.f32 v34, v0  }
0x6c: {  	v22 =	vld [tilespmem:s28+$0x9750]  }
0x6d: {  	v17 =	vld [tilespmem:s28+$0x9760];
	v0 =	vmul.f32 v0, v32;
	[tilespmem:s28+$0x11C50] =	vst v29  }
0x6e: {  	v1 =	vld.msk [tilespmem:s28+$0x280], $0x1;
	[tilespmem:$0x1FCF0] =	vst v2  }
0x6f: {  	v2 =	vld [tilespmem:s25+$0x9680];
	[tilespmem:s28+$0x11BE0] =	vst v0  }
0x70: {  	v36 =	vperm.xlane v60, v30;
	v61 =	vmul.f32 v34, v25;
	v0 =	vld [tilespmem:s25+$0x9690];
	_ =	sdelay $0x1  }
0x71: {  	v20 =	vld [tilespmem:s28+$0x96E0];
	v19 =	vmul.f32 v61, v52;
	v17 =	vmul.f32 v36, v17  }
0x72: {  	v10 =	vld [tilespmem:s28+$0x9660]  }
0x73: {  	v16 =	vld [tilespmem:s28+$0x96D0];
	v17 =	vmul.f32 v17, v32;
	[tilespmem:s28+$0x11BD0] =	vst v19  }
0x74: {  	v25 =	vld.msk [tilespmem:s28+$0x200], $0x1;
	v3 =	vperm.xlane v1, v30;
	[tilespmem:$0x1FD30] =	vst v0;
	v0 =	vmul.f32 v36, v22  }
0x75: {  	v1 =	vld [tilespmem:s25+$0x96A0];
	[tilespmem:s28+$0x11B60] =	vst v17  }
0x76: {  	v63 =	vmul.f32 v3, v20;
	v20 =	vmul.f32 v0, v52;
	v0 =	vld [tilespmem:s25+$0x96B0];
	_ =	sdelay $0x2  }
0x77: {  	[tilespmem:$0x1FD10] =	vst v2;
	v2 =	vperm.xlane v25, v30  }
0x78: {  	v14 =	vld [tilespmem:s28+$0x9650];
	v16 =	vmul.f32 v3, v16;
	[tilespmem:s28+$0x11B50] =	vst v20  }
0x79: {  	v19 =	vmul.f32 v63, v32;
	v10 =	vmul.f32 v2, v10;
	[tilespmem:$0x1FD70] =	vst v0;
	v0 =	vld [tilespmem:s25+$0x96C0]  }
0x7a: {  	v20 =	vmul.f32 v16, v52  }
0x7b: {  	v15 =	vld [tilespmem:s28+$0x95D0];
	v10 =	vmul.f32 v10, v32;
	[tilespmem:s28+$0x11AE0] =	vst v19  }
0x7c: {  	v35 =	vld [tilespmem:s25+$0x96D0];
	[tilespmem:s28+$0x11AD0] =	vst v20  }
0x7d: {  	v40 =	vld [tilespmem:s25+$0x96E0];
	[tilespmem:s28+$0x11A60] =	vst v10  }
0x7e: {  	v14 =	vmul.f32 v2, v14;
	[tilespmem:$0x1FD90] =	vst v0;
	v0 =	vld [tilespmem:s25+$0x96F0];
	_ =	sdelay $0x1  }
0x7f: {  	v14 =	vmul.f32 v14, v52  }
0x80: {  	v12 =	vld [tilespmem:s28+$0x9600]  }
0x81: {  	v13 =	vld [tilespmem:s28+$0x95F0];
	[tilespmem:s28+$0x11A50] =	vst v14  }
0x82: {  	v15 =	vmul.f32 v11, v15;
	[tilespmem:$0x1FDB0] =	vst v0;
	v0 =	vld [tilespmem:s25+$0x9700];
	_ =	sdelay $0x1  }
0x83: {  	v15 =	vmul.f32 v15, v52;
	v22 =	vld [tilespmem:s28+$0x9A40]  }
0x84: {  	v10 =	vmul.f32 v2, v12;
	v12 =	vld [tilespmem:s28+$0x9A30]  }
0x85: {  	v11 =	vmul.f32 v11, v13;
	[tilespmem:s28+$0x119D0] =	vst v15  }
0x86: {  	v10 =	vmul.f32 v10, v6;
	[tilespmem:$0x1FDD0] =	vst v0;
	v0 =	vld [tilespmem:s25+$0x9710]  }
0x87: {  	v13 =	vld [tilespmem:s28+$0x9A20];
	v11 =	vmul.f32 v11, v9  }
0x88: {  	v14 =	vld [tilespmem:s28+$0x9A10];
	v15 =	vmul.f32 v21, v22;
	[tilespmem:s28+$0x11A00] =	vst v10  }
0x89: {  	v63 =	vld [tilespmem:s25+$0x9720];
	[tilespmem:s28+$0x119F0] =	vst v11;
	v11 =	vmul.f32 v21, v12  }
0x8a: {  	v12 =	vmul.f32 v15, v23  }
0x8b: {  	v10 =	vld [tilespmem:s28+$0x9A00];
	v11 =	vmul.f32 v11, v8;
	[tilespmem:$0x1FDF0] =	vst v0  }
0x8c: {  	v0 =	vld [tilespmem:s25+$0x9730];
	[tilespmem:s28+$0x11E40] =	vst v12;
	v12 =	vmul.f32 v21, v13  }
0x8d: {  	v61 =	vld [tilespmem:s25+$0x9740];
	[tilespmem:s28+$0x11E30] =	vst v11;
	v11 =	vmul.f32 v21, v14  }
0x8e: {  	v12 =	vmul.f32 v12, v28  }
0x8f: {  	v13 =	vld [tilespmem:s28+$0x99F0];
	v11 =	vmul.f32 v11, v27  }
0x90: {  	v49 =	vld [tilespmem:s25+$0x9750];
	[tilespmem:s28+$0x11E20] =	vst v12  }
0x91: {  	v52 =	vld [tilespmem:s25+$0x9760];
	[tilespmem:s28+$0x11E10] =	vst v11  }
0x92: {  	v10 =	vmul.f32 v21, v10;
	[tilespmem:$0x1FE20] =	vst v0;
	v0 =	vld [tilespmem:s25+$0x9770];
	_ =	sdelay $0x1  }
0x93: {  	v10 =	vmul.f32 v10, v6;
	_ =	sdelay $0x1  }
0x94: {  	v14 =	vld [tilespmem:s28+$0x99C0];
	[tilespmem:s28+$0x11E00] =	vst v10  }
0x95: {  	v11 =	vmul.f32 v7, v13;
	[tilespmem:$0x1FE40] =	vst v0;
	v0 =	vld [tilespmem:s25+$0x9780];
	_ =	sdelay $0x1  }
0x96: {  	v11 =	vmul.f32 v11, v9;
	_ =	sdelay $0x1  }
0x97: {  	v12 =	vld [tilespmem:s28+$0x99B0];
	[tilespmem:s28+$0x11DF0] =	vst v11  }
0x98: {  	v10 =	vmul.f32 v7, v14;
	[tilespmem:$0x1FE60] =	vst v0;
	v0 =	vld [tilespmem:s25+$0x9790];
	_ =	sdelay $0x1  }
0x99: {  	v37 =	vld [tilespmem:s28+$0x9610];
	v10 =	vmul.f32 v10, v23  }
0x9a: {  	v42 =	vld [tilespmem:s28+$0x9620]  }
0x9b: {  	v13 =	vld [tilespmem:s28+$0x99A0];
	[tilespmem:s28+$0x11DC0] =	vst v10  }
0x9c: {  	v11 =	vmul.f32 v7, v12;
	[tilespmem:$0x1FE80] =	vst v0;
	v0 =	vld [tilespmem:s25+$0x97A0]  }
0x9d: {  	v62 =	vld [tilespmem:s28+$0x9630]  }
0x9e: {  	v58 =	vld [tilespmem:s28+$0x9640];
	v11 =	vmul.f32 v11, v8  }
0x9f: {  	v55 =	vld [tilespmem:s28+$0x9680]  }
0xa0: {  	v14 =	vld [tilespmem:s28+$0x9990];
	[tilespmem:s28+$0x11DB0] =	vst v11  }
0xa1: {  	v10 =	vmul.f32 v7, v13;
	[tilespmem:$0x1FEA0] =	vst v0;
	v0 =	vld [tilespmem:s25+$0x97B0]  }
0xa2: {  	v57 =	vld [tilespmem:s28+$0x9690]  }
0xa3: {  	v46 =	vld [tilespmem:s28+$0x96A0];
	v10 =	vmul.f32 v10, v28  }
0xa4: {  	v12 =	vld [tilespmem:s28+$0x9980]  }
0xa5: {  	v13 =	vld [tilespmem:s28+$0x9970];
	[tilespmem:s28+$0x11DA0] =	vst v10  }
0xa6: {  	v11 =	vmul.f32 v7, v14;
	[tilespmem:$0x1FEC0] =	vst v0;
	v0 =	vld [tilespmem:s25+$0x97C0]  }
0xa7: {  	v53 =	vld [tilespmem:s28+$0x96B0]  }
0xa8: {  	v14 =	vld [tilespmem:s28+$0x9940];
	v10 =	vmul.f32 v11, v27  }
0xa9: {  	v39 =	vld [tilespmem:s28+$0x96C0];
	v7 =	vmul.f32 v7, v12  }
0xaa: {  	v11 =	vld [tilespmem:s28+$0x9930];
	[tilespmem:s28+$0x11D90] =	vst v10  }
0xab: {  	v7 =	vmul.f32 v7, v6;
	v10 =	vmul.f32 v5, v13;
	[tilespmem:$0x1FEE0] =	vst v0;
	v0 =	vld [tilespmem:s25+$0x97D0]  }
0xac: {  	v12 =	vld [tilespmem:s28+$0x9920]  }
0xad: {  	v43 =	vld [tilespmem:s28+$0x96F0];
	v10 =	vmul.f32 v10, v9;
	[tilespmem:s28+$0x11D80] =	vst v7;
	v7 =	vmul.f32 v5, v14  }
0xae: {  	v13 =	vld [tilespmem:s28+$0x9910]  }
0xaf: {  	v60 =	vld [tilespmem:s25+$0x97E0];
	[tilespmem:s28+$0x11D70] =	vst v10;
	v10 =	vmul.f32 v5, v11;
	v7 =	vmul.f32 v7, v23  }
0xb0: {  	v11 =	vld [tilespmem:s28+$0x9900];
	[tilespmem:$0x1FF00] =	vst v0  }
0xb1: {  	v0 =	vld [tilespmem:s25+$0x97F0];
	[tilespmem:s28+$0x11D40] =	vst v7;
	v7 =	vmul.f32 v5, v12;
	v12 =	vmul.f32 v10, v8  }
0xb2: {  	v14 =	vld [tilespmem:s28+$0x98F0]  }
0xb3: {  	v17 =	vld.msk [tilespmem:s25+$0x180], $0x1;
	[tilespmem:s28+$0x11D30] =	vst v12;
	v12 =	vmul.f32 v5, v13  }
0xb4: {  	v33 =	vld [tilespmem:s28+$0x98C0];
	v13 =	vmul.f32 v7, v28  }
0xb5: {  	v21 =	vld [tilespmem:s28+$0x98B0];
	v12 =	vmul.f32 v12, v27  }
0xb6: {  	v5 =	vmul.f32 v5, v11;
	v16 =	vld.msk [tilespmem:s25+$0x200], $0x1;
	[tilespmem:s28+$0x11D20] =	vst v13  }
0xb7: {  	v54 =	vld.msk [tilespmem:s25+$0x280], $0x1;
	[tilespmem:s28+$0x11D10] =	vst v12;
	v12 =	vmul.f32 v50, v14  }
0xb8: {  	v5 =	vmul.f32 v5, v6  }
0xb9: {  	v25 =	vld [tilespmem:s28+$0x98A0];
	v12 =	vmul.f32 v12, v9  }
0xba: {  	v20 =	vld.msk [tilespmem:s25+$0x300], $0x1;
	[tilespmem:s28+$0x11D00] =	vst v5;
	v5 =	vmul.f32 v50, v33  }
0xbb: {  	v22 =	vld.msk [tilespmem:s25+$0x380], $0x1;
	[tilespmem:s28+$0x11CF0] =	vst v12;
	v12 =	vmul.f32 v50, v21  }
0xbc: {  	v51 =	vld [tilespmem:s28+$0x9890];
	v5 =	vmul.f32 v5, v23  }
0xbd: {  	[tilespmem:$0x1FF10] =	vst v0;
	v21 =	vld [tilespmem:s28+$0x9880];
	v12 =	vmul.f32 v12, v8  }
0xbe: {  	v59 =	vld.msk [tilespmem:s25+$0x400], $0x1;
	[tilespmem:s28+$0x11CC0] =	vst v5  }
0xbf: {  	v5 =	vmul.f32 v50, v25;
	v0 =	vld.msk [tilespmem:s25+$0x480], $0x1;
	[tilespmem:s28+$0x11CB0] =	vst v12  }
0xc0: {  	[tilespmem:$0x1FD50] =	vst v1;
	v1 =	vld.msk [tilespmem:s25+$0x500], $0x1  }
0xc1: {  	v5 =	vmul.f32 v5, v28  }
0xc2: {  	v25 =	vld [tilespmem:s28+$0x9870];
	v12 =	vmul.f32 v50, v51  }
0xc3: {  	v47 =	vld [tilespmem:s28+$0x9730];
	[tilespmem:s28+$0x11CA0] =	vst v5  }
0xc4: {  	v5 =	vmul.f32 v12, v27;
	[tilespmem:$0x1FF30] =	vst v0;
	v0 =	vld [tilespmem:s28+$0x9840]  }
0xc5: {  	v21 =	vmul.f32 v50, v21;
	[tilespmem:$0x1FFD0] =	vst v1;
	v1 =	vld.msk [tilespmem:s25+$0x580], $0x1  }
0xc6: {  	v24 =	vld [tilespmem:s28+$0x9770];
	[tilespmem:s28+$0x11C90] =	vst v5  }
0xc7: {  	v21 =	vmul.f32 v21, v6;
	v5 =	vmul.f32 v41, v25;
	v4 =	vld.msk [tilespmem:s25+$0x600], $0x1  }
0xc8: {  	v12 =	vld [tilespmem:s28+$0x9830]  }
0xc9: {  	[tilespmem:s28+$0x11C80] =	vst v21;
	v21 =	vld [tilespmem:s28+$0x9810];
	v5 =	vmul.f32 v5, v9  }
0xca: {  	v0 =	vmul.f32 v41, v0;
	[tilespmem:$0x1FFE0] =	vst v1;
	v1 =	vld [tilespmem:s28+$0x9820]  }
0xcb: {  	v25 =	vld [tilespmem:s25+$0x9800];
	[tilespmem:s28+$0x11C70] =	vst v5  }
0xcc: {  	v0 =	vmul.f32 v0, v23;
	[tilespmem:$0x1FFF0] =	vst v4;
	v4 =	vld [tilespmem:s25+$0x9810]  }
0xcd: {  	v26 =	vld [tilespmem:s28+$0x9740]  }
0xce: {  	v5 =	vmul.f32 v41, v12;
	v12 =	vld [tilespmem:s28+$0x9800];
	[tilespmem:s28+$0x11C40] =	vst v0  }
0xcf: {  	v14 =	vmul.f32 v2, v62;
	v62 =	vld [tilespmem:s25+$0x9820];
	v0 =	vmul.f32 v41, v1  }
0xd0: {  	v1 =	vmul.f32 v5, v8;
	v5 =	vld [tilespmem:s28+$0x97F0]  }
0xd1: {  	v21 =	vmul.f32 v41, v21;
	[tilespmem:$0x1FF50] =	vst v4;
	v4 =	vld [tilespmem:$0x1FBC0];
	v0 =	vmul.f32 v0, v28  }
0xd2: {  	v42 =	vmul.f32 v2, v42;
	[tilespmem:s28+$0x11C30] =	vst v1;
	v1 =	vld [tilespmem:s28+$0x97C0]  }
0xd3: {  	v15 =	vmul.f32 v2, v37;
	v29 =	vld [tilespmem:s25+$0x9830];
	[tilespmem:s28+$0x11C20] =	vst v0;
	v0 =	vmul.f32 v21, v27  }
0xd4: {  	v11 =	vmul.f32 v3, v46;
	v41 =	vmul.f32 v41, v12;
	v21 =	vld [tilespmem:s28+$0x97B0]  }
0xd5: {  	v13 =	vmul.f32 v2, v58;
	v18 =	vld [tilespmem:s25+$0x9840];
	[tilespmem:s28+$0x11C10] =	vst v0;
	v0 =	vmul.f32 v34, v5  }
0xd6: {  	v41 =	vmul.f32 v41, v6;
	v10 =	vmul.f32 v2, v4;
	v2 =	vld [tilespmem:s28+$0x97A0]  }
0xd7: {  	v1 =	vmul.f32 v34, v1;
	v46 =	vmul.f32 v0, v9;
	v0 =	vld [tilespmem:s28+$0x9790]  }
0xd8: {  	v50 =	vld [tilespmem:s28+$0x9780]  }
0xd9: {  	v58 =	vld [tilespmem:s25+$0x9850];
	[tilespmem:s28+$0x11C00] =	vst v41;
	v21 =	vmul.f32 v34, v21;
	v1 =	vmul.f32 v1, v23  }
0xda: {  	v12 =	vmul.f32 v3, v57;
	v57 =	vld [tilespmem:s25+$0x9860];
	[tilespmem:s28+$0x11BF0] =	vst v46  }
0xdb: {  	v32 =	vld [tilespmem:s25+$0x9870];
	[tilespmem:s28+$0x11BC0] =	vst v1;
	v1 =	vmul.f32 v34, v2;
	v2 =	vmul.f32 v21, v8  }
0xdc: {  	v38 =	vld [tilespmem:s28+$0x9700];
	v24 =	vmul.f32 v36, v24;
	v0 =	vmul.f32 v34, v0  }
0xdd: {  	v19 =	vld [tilespmem:s25+$0x9880];
	[tilespmem:s28+$0x11BB0] =	vst v2;
	v1 =	vmul.f32 v1, v28;
	v2 =	vmul.f32 v36, v26  }
0xde: {  	v45 =	vld [tilespmem:s28+$0x9720];
	v26 =	vmul.f32 v34, v50;
	v0 =	vmul.f32 v0, v27  }
0xdf: {  	v7 =	vmul.f32 v3, v55;
	v51 =	vmul.f32 v36, v47;
	v55 =	vld [tilespmem:s25+$0x9890];
	[tilespmem:s28+$0x11BA0] =	vst v1  }
0xe0: {  	v4 =	vmul.f32 v3, v39;
	v39 =	vld [tilespmem:s25+$0x98A0];
	[tilespmem:s28+$0x11B90] =	vst v0;
	v0 =	vmul.f32 v26, v6  }
0xe1: {  	v44 =	vld [tilespmem:s28+$0x9710];
	v5 =	vmul.f32 v3, v53;
	v1 =	vmul.f32 v24, v9  }
0xe2: {  	v3 =	vmul.f32 v3, v43;
	v2 =	vmul.f32 v2, v23;
	v43 =	vld [tilespmem:s25+$0x98B0];
	[tilespmem:s28+$0x11B80] =	vst v0  }
0xe3: {  	v21 =	vmul.f32 v36, v45;
	v0 =	vmul.f32 v51, v8;
	v46 =	vld [tilespmem:s25+$0x98C0];
	[tilespmem:s28+$0x11B70] =	vst v1  }
0xe4: {  	v37 =	vmul.f32 v15, v27;
	v15 =	vperm.xlane v17, v30;
	v53 =	vld [tilespmem:s25+$0x98D0];
	[tilespmem:s28+$0x11B40] =	vst v2  }
0xe5: {  	v2 =	vmul.f32 v21, v28;
	v51 =	vld [tilespmem:s25+$0x98E0];
	[tilespmem:s28+$0x11B30] =	vst v0  }
0xe6: {  	v47 =	vmul.f32 v15, v48;
	v48 =	vld [tilespmem:s25+$0x98F0]  }
0xe7: {  	[tilespmem:s28+$0x11B20] =	vst v2;
	v2 =	vld [tilespmem:$0x1FBD0];
	_ =	sdelay $0x4  }
0xe8: {  	v45 =	vmul.f32 v15, v2;
	v2 =	vld [tilespmem:$0x1FBE0];
	_ =	sdelay $0x1  }
0xe9: {  	v38 =	vmul.f32 v36, v38  }
0xea: {  	v3 =	vmul.f32 v3, v9;
	v9 =	vmul.f32 v10, v9  }
0xeb: {  	v10 =	vmul.f32 v38, v6;
	v6 =	vmul.f32 v7, v6  }
0xec: {  	v7 =	vmul.f32 v42, v28;
	v42 =	vmul.f32 v15, v2;
	v2 =	vld [tilespmem:$0x1FBF0];
	_ =	sdelay $0x4  }
0xed: {  	v41 =	vmul.f32 v15, v2;
	v2 =	vld [tilespmem:$0x1FC00];
	_ =	sdelay $0x4  }
0xee: {  	v24 =	vmul.f32 v11, v28;
	v28 =	vmul.f32 v15, v2;
	v2 =	vld [tilespmem:$0x1FC10];
	_ =	sdelay $0x4  }
0xef: {  	v33 =	vmul.f32 v15, v2;
	v2 =	vld [tilespmem:$0x1FC20];
	_ =	sdelay $0x4  }
0xf0: {  	v21 =	vmul.f32 v15, v2;
	v2 =	vld [tilespmem:$0x1FC30];
	_ =	sdelay $0x2  }
0xf1: {  	v0 =	vperm.xlane v16, v30;
	_ =	sdelay $0x1  }
0xf2: {  	v11 =	vmul.f32 v0, v2;
	v2 =	vld [tilespmem:$0x1FC40];
	_ =	sdelay $0x4  }
0xf3: {  	v2 =	vmul.f32 v0, v2;
	_ =	sdelay $0x1  }
0xf4: {  	[tilespmem:$0x1FC50] =	vst v2;
	v2 =	vld [tilespmem:$0x1FC60];
	_ =	sdelay $0x4  }
0xf5: {  	v2 =	vmul.f32 v0, v2;
	_ =	sdelay $0x1  }
0xf6: {  	[tilespmem:$0x1FC70] =	vst v2;
	v2 =	vld [tilespmem:$0x1FC80];
	_ =	sdelay $0x4  }
0xf7: {  	v2 =	vmul.f32 v0, v2;
	_ =	sdelay $0x1  }
0xf8: {  	[tilespmem:$0x1FC90] =	vst v2;
	v2 =	vld [tilespmem:$0x1FCA0];
	_ =	sdelay $0x4  }
0xf9: {  	v2 =	vmul.f32 v0, v2;
	_ =	sdelay $0x1  }
0xfa: {  	[tilespmem:$0x1FCB0] =	vst v2;
	v2 =	vld [tilespmem:$0x1FCC0];
	_ =	sdelay $0x4  }
0xfb: {  	v2 =	vmul.f32 v0, v2;
	_ =	sdelay $0x1  }
0xfc: {  	[tilespmem:$0x1FCD0] =	vst v2;
	v2 =	vmul.f32 v0, v31;
	_ =	sdelay $0x1  }
0xfd: {  	[tilespmem:$0x1FCE0] =	vst v2;
	v2 =	vld [tilespmem:$0x1FCF0];
	_ =	sdelay $0x3  }
0xfe: {  	v44 =	vmul.f32 v36, v44  }
0xff: {  	v0 =	vmul.f32 v0, v2;
	v2 =	vld [tilespmem:$0x1FD10]  }
0x100: {  	v1 =	vmul.f32 v44, v27;
	_ =	sdelay $0x1  }
0x101: {  	v50 =	vld [tilespmem:s25+$0x9900];
	[tilespmem:s28+$0x11B10] =	vst v1;
	v1 =	vperm.xlane v54, v30;
	_ =	sdelay $0x1  }
0x102: {  	v2 =	vmul.f32 v1, v2;
	_ =	sdelay $0x1  }
0x103: {  	[tilespmem:$0x1FD20] =	vst v2;
	v2 =	vld [tilespmem:$0x1FD30];
	_ =	sdelay $0x4  }
0x104: {  	v2 =	vmul.f32 v1, v2;
	_ =	sdelay $0x1  }
0x105: {  	[tilespmem:$0x1FD40] =	vst v2;
	v2 =	vld [tilespmem:$0x1FD50];
	_ =	sdelay $0x4  }
0x106: {  	v2 =	vmul.f32 v1, v2;
	_ =	sdelay $0x1  }
0x107: {  	[tilespmem:$0x1FD60] =	vst v2;
	v2 =	vld [tilespmem:$0x1FD70];
	_ =	sdelay $0x4  }
0x108: {  	v2 =	vmul.f32 v1, v2;
	_ =	sdelay $0x1  }
0x109: {  	[tilespmem:$0x1FD80] =	vst v2;
	v2 =	vld [tilespmem:$0x1FD90];
	_ =	sdelay $0x4  }
0x10a: {  	v2 =	vmul.f32 v1, v2;
	_ =	sdelay $0x1  }
0x10b: {  	[tilespmem:$0x1FDA0] =	vst v2;
	v2 =	vld [tilespmem:$0x1FDB0];
	_ =	sdelay $0x3  }
0x10c: {  	v12 =	vmul.f32 v12, v27;
	v27 =	vmul.f32 v1, v35  }
0x10d: {  	v40 =	vmul.f32 v1, v40;
	v1 =	vmul.f32 v1, v2;
	v2 =	vld [tilespmem:$0x1FDD0];
	_ =	sdelay $0x2  }
0x10e: {  	[tilespmem:$0x1FD00] =	vst v0;
	v0 =	vperm.xlane v20, v30;
	_ =	sdelay $0x1  }
0x10f: {  	v2 =	vmul.f32 v0, v2;
	_ =	sdelay $0x1  }
0x110: {  	[tilespmem:$0x1FDE0] =	vst v2;
	v2 =	vld [tilespmem:$0x1FDF0];
	_ =	sdelay $0x4  }
0x111: {  	v2 =	vmul.f32 v0, v2;
	_ =	sdelay $0x1  }
0x112: {  	[tilespmem:$0x1FE00] =	vst v2;
	v2 =	vmul.f32 v0, v63;
	_ =	sdelay $0x1  }
0x113: {  	[tilespmem:$0x1FE10] =	vst v2;
	v2 =	vld [tilespmem:$0x1FE20];
	_ =	sdelay $0x4  }
0x114: {  	v35 =	vmul.f32 v0, v2;
	v2 =	vmul.f32 v0, v61;
	_ =	sdelay $0x1  }
0x115: {  	[tilespmem:$0x1FE30] =	vst v2;
	v2 =	vld [tilespmem:$0x1FE40];
	_ =	sdelay $0x3  }
0x116: {  	v49 =	vmul.f32 v0, v49  }
0x117: {  	v52 =	vmul.f32 v0, v52;
	v0 =	vmul.f32 v0, v2;
	v2 =	vld [tilespmem:$0x1FE60];
	_ =	sdelay $0x2  }
0x118: {  	[tilespmem:$0x1FDC0] =	vst v1;
	v1 =	vperm.xlane v22, v30;
	_ =	sdelay $0x1  }
0x119: {  	v2 =	vmul.f32 v1, v2;
	_ =	sdelay $0x1  }
0x11a: {  	[tilespmem:$0x1FE70] =	vst v2;
	v2 =	vld [tilespmem:$0x1FE80];
	_ =	sdelay $0x4  }
0x11b: {  	v2 =	vmul.f32 v1, v2;
	_ =	sdelay $0x1  }
0x11c: {  	[tilespmem:$0x1FE90] =	vst v2;
	v2 =	vld [tilespmem:$0x1FEA0];
	_ =	sdelay $0x4  }
0x11d: {  	v2 =	vmul.f32 v1, v2;
	_ =	sdelay $0x1  }
0x11e: {  	[tilespmem:$0x1FEB0] =	vst v2;
	v2 =	vld [tilespmem:$0x1FEC0];
	_ =	sdelay $0x4  }
0x11f: {  	v2 =	vmul.f32 v1, v2;
	_ =	sdelay $0x1  }
0x120: {  	[tilespmem:$0x1FED0] =	vst v2;
	v2 =	vld [tilespmem:$0x1FEE0];
	_ =	sdelay $0x3  }
0x121: {  	v54 =	vld [tilespmem:s25+$0x9910];
	[tilespmem:s28+$0x11B00] =	vst v10  }
0x122: {  	v44 =	vmul.f32 v15, v56;
	v56 =	vld [tilespmem:s25+$0x9920];
	v2 =	vmul.f32 v1, v2  }
0x123: {  	[tilespmem:s28+$0x11AF0] =	vst v3;
	v3 =	vld [tilespmem:$0x1FF10]  }
0x124: {  	[tilespmem:$0x1FEF0] =	vst v2;
	v2 =	vld [tilespmem:$0x1FF00];
	_ =	sdelay $0x2  }
0x125: {  	v14 =	vmul.f32 v14, v8;
	v4 =	vmul.f32 v4, v23  }
0x126: {  	v60 =	vmul.f32 v1, v60;
	[tilespmem:$0x1FE50] =	vst v0;
	v0 =	vperm.xlane v59, v30  }
0x127: {  	v59 =	vmul.f32 v1, v2;
	v1 =	vmul.f32 v1, v3  }
0x128: {  	v5 =	vmul.f32 v5, v8;
	v8 =	vmul.f32 v13, v23;
	v23 =	vld [tilespmem:s25+$0x9930];
	[tilespmem:s28+$0x11AC0] =	vst v4  }
0x129: {  	[tilespmem:$0x1FF20] =	vst v1;
	v1 =	vld [tilespmem:$0x1FF30]  }
0x12a: {  	v13 =	vld [tilespmem:s25+$0x9940];
	[tilespmem:s28+$0x11AB0] =	vst v5  }
0x12b: {  	v5 =	vld [tilespmem:s25+$0x9950];
	[tilespmem:s28+$0x11AA0] =	vst v24  }
0x12c: {  	v63 =	vld [tilespmem:s25+$0x9960];
	[tilespmem:s28+$0x11A90] =	vst v12  }
0x12d: {  	v61 =	vld [tilespmem:s25+$0x9970];
	[tilespmem:s28+$0x11A80] =	vst v6  }
0x12e: {  	v34 =	vld [tilespmem:s25+$0x9980];
	[tilespmem:s28+$0x11A70] =	vst v9;
	v9 =	vperm.xlane v1, v30;
	v1 =	vmul.f32 v0, v25;
	_ =	sdelay $0x1  }
0x12f: {  	[tilespmem:$0x1FF40] =	vst v1;
	v1 =	vld [tilespmem:$0x1FF50];
	_ =	sdelay $0x4  }
0x130: {  	v1 =	vmul.f32 v0, v1;
	_ =	sdelay $0x1  }
0x131: {  	[tilespmem:$0x1FF60] =	vst v1;
	v1 =	vmul.f32 v0, v62;
	_ =	sdelay $0x1  }
0x132: {  	[tilespmem:$0x1FF70] =	vst v1;
	v1 =	vmul.f32 v0, v29;
	_ =	sdelay $0x1  }
0x133: {  	[tilespmem:$0x1FF80] =	vst v1;
	v1 =	vmul.f32 v0, v18  }
0x134: {  	v3 =	vmul.f32 v0, v57  }
0x135: {  	[tilespmem:$0x1FF90] =	vst v1;
	v1 =	vmul.f32 v0, v58;
	v0 =	vmul.f32 v0, v32;
	_ =	sdelay $0x1  }
0x136: {  	[tilespmem:$0x1FFA0] =	vst v0;
	v0 =	vmul.f32 v9, v19;
	_ =	sdelay $0x1  }
0x137: {  	[tilespmem:$0x1FFB0] =	vst v0;
	v0 =	vmul.f32 v9, v55;
	_ =	sdelay $0x1  }
0x138: {  	[tilespmem:$0x1FFC0] =	vst v0;
	v0 =	vld [tilespmem:$0x1FFD0];
	_ =	sdelay $0x2  }
0x139: {  	v2 =	vld [tilespmem:s25+$0x9990];
	[tilespmem:s28+$0x11A40] =	vst v8  }
0x13a: {  	v4 =	vld [tilespmem:s25+$0x99A0]  }
0x13b: {  	[tilespmem:s28+$0x11A30] =	vst v14;
	v55 =	vperm.xlane v0, v30;
	v0 =	vld [tilespmem:$0x1FFE0]  }
0x13c: {  	v62 =	vld [tilespmem:s25+$0x99B0];
	[tilespmem:s28+$0x11A20] =	vst v7  }
0x13d: {  	v7 =	vld [tilespmem:s25+$0x99C0];
	[tilespmem:s28+$0x11A10] =	vst v37  }
0x13e: {  	v14 =	vld [tilespmem:s25+$0x99D0]  }
0x13f: {  	v38 =	vmul.f32 v9, v39;
	v43 =	vmul.f32 v9, v43;
	v15 =	vld [tilespmem:s25+$0x99E0]  }
0x140: {  	v8 =	vmul.f32 v9, v51;
	v51 =	vperm.xlane v0, v30;
	v0 =	vld [tilespmem:$0x1FFF0]  }
0x141: {  	v46 =	vmul.f32 v9, v46;
	v6 =	vmul.f32 v9, v53;
	v10 =	vld [tilespmem:s25+$0x9A00]  }
0x142: {  	v48 =	vmul.f32 v9, v48;
	v12 =	vld [tilespmem:s25+$0x9A20];
	v50 =	vmul.f32 v55, v50  }
0x143: {  	v9 =	vld [tilespmem:s25+$0x99F0];
	v54 =	vmul.f32 v55, v54;
	v56 =	vmul.f32 v55, v56  }
0x144: {  	v57 =	vmul.f32 v55, v23;
	v23 =	vmul.f32 v55, v5;
	v5 =	vld [tilespmem:s25+$0x9A30]  }
0x145: {  	s28 =	simm.s32 $0x2800;
	v58 =	vmul.f32 v55, v13;
	v53 =	vperm.xlane v0, v30;
	v0 =	vld [tilespmem:s25+$0x9A10]  }
.LBB2_3:
0x146: {  	v16 =	vld [tilespmem:s25+$0x9A40];
	v63 =	vmul.f32 v55, v63  }
0x147: {  	v13 =	vmul.f32 v55, v61;
	v39 =	vld [tilespmem:s25+$0x9A50];
	v34 =	vmul.f32 v51, v34  }
0x148: {  	v17 =	vmul.f32 v51, v2;
	v18 =	vld [tilespmem:s25+$0x9A70];
	v19 =	vmul.f32 v51, v4  }
0x149: {  	v20 =	vmul.f32 v51, v62;
	v32 =	vld [tilespmem:s25+$0x9A60];
	v24 =	vmul.f32 v51, v7;
	s26 =	sadd.s32 $0x80, s26  }
0x14a: {  	v55 =	vld [tilespmem:s26+$0x30];
	v14 =	vmul.f32 v51, v14;
	v15 =	vmul.f32 v51, v15  }
0x14b: {  	v4 =	vld [tilespmem:s26+$0xFFFFFFC0];
	v22 =	vmul.f32 v51, v9;
	v26 =	vmul.f32 v53, v10  }
0x14c: {  	v2 =	vld [tilespmem:s26+$0xFFFFFFE0];
	v7 =	vmul.f32 v53, v0;
	v10 =	vmul.f32 v53, v12  }
0x14d: {  	v51 =	vld [tilespmem:s26+$0xFFFFFFD0];
	v12 =	vmul.f32 v53, v5;
	v0 =	vmul.f32 v53, v18  }
0x14e: {  	v25 =	vld [tilespmem:s26+$0x10];
	v16 =	vmul.f32 v53, v16;
	v18 =	vmul.f32 v53, v39  }
0x14f: {  	v5 =	vld [tilespmem:s26+$0xFFFFFFF0];
	v31 =	vmul.f32 v21, v55;
	v21 =	vmul.f32 v0, v55  }
0x150: {  	v61 =	vmul.f32 v53, v32;
	v53 =	vld [tilespmem:s26+$0x0];
	v62 =	vmul.f32 v47, v4  }
0x151: {  	s29 =	sshra.s32 s28, $0x2;
	v29 =	vmul.f32 v11, v4;
	v11 =	vld [tilespmem:s26+$0x20];
	[tilespmem:s25+$0x11E70] =	vst v21  }
0x152: {  	v36 =	vmul.f32 v44, v51;
	v47 =	vld [tilespmem:s29+$0x9580];
	[tilespmem:s25+$0x11980] =	vst v62  }
0x153: {  	v21 =	vmul.f32 v45, v2;
	v0 =	vld [tilespmem:s29+$0x9590]  }
0x154: {  	v62 =	vmul.f32 v42, v5;
	[tilespmem:s25+$0x11990] =	vst v36  }
0x155: {  	v36 =	vmul.f32 v41, v53;
	v45 =	vld [tilespmem:s29+$0x95A0];
	[tilespmem:s25+$0x119A0] =	vst v21  }
0x156: {  	v42 =	vld [tilespmem:s29+$0x95B0];
	[tilespmem:s25+$0x119B0] =	vst v62  }
0x157: {  	v41 =	vld [tilespmem:s29+$0x95C0];
	[tilespmem:s25+$0x119C0] =	vst v36  }
0x158: {  	[tilespmem:$0x1FA30] =	vst v0;
	v0 =	vld [tilespmem:s29+$0x95D0];
	_ =	sdelay $0x1  }
0x159: {  	v18 =	vmul.f32 v18, v25;
	_ =	sdelay $0x1  }
0x15a: {  	[tilespmem:s25+$0x11E50] =	vst v18  }
0x15b: {  	[tilespmem:$0x1FA40] =	vst v0;
	v0 =	vld [tilespmem:s29+$0x95E0];
	_ =	sdelay $0x1  }
0x15c: {  	v21 =	vmul.f32 v33, v11;
	_ =	sdelay $0x1  }
0x15d: {  	[tilespmem:s25+$0x119E0] =	vst v21  }
0x15e: {  	[tilespmem:$0x1FA50] =	vst v0;
	v0 =	vld [tilespmem:s29+$0x95F0];
	_ =	sdelay $0x1  }
0x15f: {  	v61 =	vmul.f32 v61, v11;
	_ =	sdelay $0x1  }
0x160: {  	[tilespmem:s25+$0x11E60] =	vst v61  }
0x161: {  	[tilespmem:$0x1FA60] =	vst v0;
	v0 =	vld [tilespmem:s29+$0x9600];
	_ =	sdelay $0x1  }
0x162: {  	v15 =	vmul.f32 v15, v11;
	_ =	sdelay $0x1  }
0x163: {  	[tilespmem:s25+$0x11DE0] =	vst v15  }
0x164: {  	[tilespmem:$0x1FA70] =	vst v0;
	v0 =	vld [tilespmem:s29+$0x9610];
	_ =	sdelay $0x1  }
0x165: {  	v14 =	vmul.f32 v14, v25;
	_ =	sdelay $0x1  }
0x166: {  	[tilespmem:s25+$0x11DD0] =	vst v14  }
0x167: {  	[tilespmem:$0x1FA80] =	vst v0;
	v0 =	vld [tilespmem:s29+$0x9620];
	_ =	sdelay $0x1  }
0x168: {  	v62 =	vmul.f32 v63, v11;
	_ =	sdelay $0x1  }
0x169: {  	[tilespmem:s25+$0x11D60] =	vst v62  }
0x16a: {  	[tilespmem:$0x1FA90] =	vst v0;
	v0 =	vld [tilespmem:s29+$0x9630];
	_ =	sdelay $0x4  }
0x16b: {  	[tilespmem:$0x1FAA0] =	vst v0;
	v0 =	vld [tilespmem:$0x1FCE0];
	_ =	sdelay $0x1  }
0x16c: {  	v33 =	vmul.f32 v23, v25  }
0x16d: {  	v8 =	vmul.f32 v8, v11;
	v3 =	vmul.f32 v3, v11  }
0x16e: {  	v21 =	vmul.f32 v60, v11;
	v15 =	vmul.f32 v52, v11;
	[tilespmem:s25+$0x11D50] =	vst v33  }
0x16f: {  	v14 =	vmul.f32 v40, v11;
	v11 =	vmul.f32 v0, v11;
	v0 =	vld [tilespmem:s29+$0x9640];
	_ =	sdelay $0x4  }
0x170: {  	[tilespmem:$0x1FAB0] =	vst v0;
	v0 =	vld [tilespmem:$0x1FCD0];
	_ =	sdelay $0x1  }
0x171: {  	v6 =	vmul.f32 v6, v25  }
0x172: {  	v1 =	vmul.f32 v1, v25;
	v27 =	vmul.f32 v27, v25  }
0x173: {  	v23 =	vmul.f32 v59, v25;
	v36 =	vmul.f32 v49, v25;
	[tilespmem:s25+$0x11CE0] =	vst v8  }
0x174: {  	v49 =	vmul.f32 v28, v25;
	v25 =	vmul.f32 v0, v25;
	v0 =	vld [tilespmem:s29+$0x9650];
	_ =	sdelay $0x3  }
0x175: {  	[tilespmem:s25+$0x11CD0] =	vst v6  }
0x176: {  	[tilespmem:$0x1FAC0] =	vst v0;
	v0 =	vld [tilespmem:s29+$0x9660];
	_ =	sdelay $0x3  }
0x177: {  	[tilespmem:s25+$0x11C60] =	vst v3  }
0x178: {  	[tilespmem:$0x1FAD0] =	vst v0;
	v0 =	vld [tilespmem:s29+$0x9670];
	_ =	sdelay $0x3  }
0x179: {  	[tilespmem:s25+$0x11C50] =	vst v1  }
0x17a: {  	[tilespmem:$0x1FAE0] =	vst v0  }
0x17b: {  	v0 =	vld [tilespmem:s29+$0x9680];
	[tilespmem:s25+$0x11BE0] =	vst v21  }
0x17c: {  	v1 =	vld [tilespmem:s29+$0x9690];
	_ =	sdelay $0x3  }
0x17d: {  	v37 =	vmul.f32 v12, v5;
	v12 =	vld [tilespmem:$0x1FFA0];
	[tilespmem:s25+$0x11BD0] =	vst v23  }
0x17e: {  	[tilespmem:$0x1FB00] =	vst v1  }
0x17f: {  	v1 =	vld [tilespmem:s29+$0x96A0];
	[tilespmem:s25+$0x11B60] =	vst v15  }
0x180: {  	v44 =	vmul.f32 v7, v51;
	v7 =	vld [tilespmem:s29+$0x96B0]  }
0x181: {  	v59 =	vld [tilespmem:$0x1FE10]  }
0x182: {  	v39 =	vmul.f32 v16, v53;
	v16 =	vmul.f32 v12, v55;
	v12 =	vld [tilespmem:$0x1FFB0]  }
0x183: {  	v52 =	vld [tilespmem:$0x1FF20]  }
0x184: {  	v62 =	vld [tilespmem:$0x1FDC0];
	[tilespmem:s25+$0x11B50] =	vst v36  }
0x185: {  	v15 =	vmul.f32 v43, v5;
	v43 =	vld [tilespmem:$0x1FDE0];
	[tilespmem:$0x1FB20] =	vst v7  }
0x186: {  	v7 =	vld [tilespmem:s29+$0x96C0];
	[tilespmem:s25+$0x11AE0] =	vst v14  }
0x187: {  	v32 =	vmul.f32 v10, v2;
	v10 =	vld [tilespmem:s29+$0x96D0];
	[tilespmem:s25+$0x11AD0] =	vst v27  }
0x188: {  	v40 =	vld [tilespmem:s29+$0x96E0];
	[tilespmem:s25+$0x11A60] =	vst v11  }
0x189: {  	v11 =	vld [tilespmem:s29+$0x96F0];
	[tilespmem:s25+$0x11A50] =	vst v25  }
0x18a: {  	v3 =	vmul.f32 v17, v51;
	v17 =	vld [tilespmem:s29+$0x9700];
	[tilespmem:s25+$0x119D0] =	vst v49  }
0x18b: {  	v18 =	vld [tilespmem:s29+$0x9710];
	[tilespmem:s25+$0x11A00] =	vst v29  }
0x18c: {  	v63 =	vld [tilespmem:s29+$0x9720];
	[tilespmem:s25+$0x119F0] =	vst v31  }
0x18d: {  	v61 =	vld [tilespmem:s29+$0x9730];
	[tilespmem:s25+$0x11E40] =	vst v39  }
0x18e: {  	v60 =	vld [tilespmem:s29+$0x9740];
	[tilespmem:s25+$0x11E30] =	vst v37  }
0x18f: {  	v28 =	vmul.f32 v24, v53;
	v24 =	vmul.f32 v52, v55;
	v49 =	vld [tilespmem:s29+$0x9750];
	[tilespmem:s25+$0x11E20] =	vst v32  }
0x190: {  	v8 =	vmul.f32 v22, v55;
	v22 =	vmul.f32 v26, v4;
	v52 =	vld [tilespmem:s29+$0x9760];
	[tilespmem:s25+$0x11E10] =	vst v44  }
0x191: {  	v32 =	vmul.f32 v59, v2;
	v59 =	vld [tilespmem:s29+$0x9770]  }
0x192: {  	[tilespmem:s25+$0x11E00] =	vst v22;
	v22 =	vld [tilespmem:$0x1FD80]  }
0x193: {  	[tilespmem:$0x1FB10] =	vst v1;
	v1 =	vmul.f32 v56, v2;
	v56 =	vld [tilespmem:$0x1FE00]  }
0x194: {  	v25 =	vld [tilespmem:$0x1FED0]  }
0x195: {  	v36 =	vmul.f32 v43, v4;
	v43 =	vld [tilespmem:s29+$0x9780]  }
0x196: {  	[tilespmem:s25+$0x11DF0] =	vst v8;
	v8 =	vld [tilespmem:$0x1FD40]  }
0x197: {  	v39 =	vmul.f32 v22, v5;
	v22 =	vld [tilespmem:$0x1FDA0]  }
0x198: {  	v23 =	vmul.f32 v54, v51;
	v54 =	vld [tilespmem:$0x1FF40]  }
0x199: {  	[tilespmem:$0x1FB50] =	vst v11;
	v11 =	vld [tilespmem:$0x1FF80]  }
0x19a: {  	v6 =	vmul.f32 v13, v55;
	v26 =	vmul.f32 v25, v5;
	v25 =	vld [tilespmem:$0x1FEF0]  }
0x19b: {  	v13 =	vmul.f32 v48, v55;
	v48 =	vmul.f32 v8, v51;
	v8 =	vld [tilespmem:$0x1FD60]  }
0x19c: {  	v37 =	vmul.f32 v56, v51;
	v56 =	vmul.f32 v22, v53;
	v22 =	vld [tilespmem:s29+$0x9790]  }
0x19d: {  	[tilespmem:s25+$0x11DC0] =	vst v28;
	v28 =	vld [tilespmem:$0x1FC90]  }
0x19e: {  	v30 =	vmul.f32 v20, v5;
	v9 =	vmul.f32 v57, v5;
	v29 =	vld [tilespmem:$0x1FE50]  }
0x19f: {  	v57 =	vmul.f32 v50, v4;
	v35 =	vmul.f32 v35, v5;
	[tilespmem:$0x1FB40] =	vst v10;
	v10 =	vld [tilespmem:$0x1FFC0]  }
0x1a0: {  	v20 =	vmul.f32 v58, v53;
	v33 =	vmul.f32 v19, v2;
	[tilespmem:$0x1FB60] =	vst v17;
	v17 =	vld [tilespmem:$0x1FF60]  }
0x1a1: {  	v19 =	vmul.f32 v11, v5;
	v50 =	vmul.f32 v8, v2;
	v8 =	vld [tilespmem:$0x1FD00]  }
0x1a2: {  	v58 =	vmul.f32 v25, v53;
	v25 =	vld [tilespmem:$0x1FE90];
	v5 =	vmul.f32 v28, v5  }
0x1a3: {  	v28 =	vld [tilespmem:$0x1FC50]  }
0x1a4: {  	[tilespmem:$0x1FB90] =	vst v5;
	v5 =	vld [tilespmem:$0x1FCB0]  }
0x1a5: {  	v31 =	vmul.f32 v29, v55;
	v29 =	vld [tilespmem:$0x1FE70]  }
0x1a6: {  	v21 =	vmul.f32 v17, v51;
	v17 =	vld [tilespmem:$0x1FF70];
	v8 =	vmul.f32 v8, v55  }
0x1a7: {  	v14 =	vmul.f32 v10, v51;
	v27 =	vmul.f32 v25, v51;
	v25 =	vld [tilespmem:$0x1FEB0]  }
0x1a8: {  	v10 =	vmul.f32 v38, v2;
	v38 =	vmul.f32 v62, v55;
	[tilespmem:$0x1FB80] =	vst v8;
	v8 =	vld [tilespmem:$0x1FD20]  }
0x1a9: {  	[tilespmem:$0x1FAF0] =	vst v0;
	v62 =	vmul.f32 v5, v53;
	v5 =	vmul.f32 v28, v51;
	v28 =	vld [tilespmem:$0x1FC70]  }
0x1aa: {  	v12 =	vmul.f32 v12, v4;
	[tilespmem:$0x1FB30] =	vst v7  }
0x1ab: {  	v0 =	vmul.f32 v34, v4;
	v7 =	vmul.f32 v46, v53;
	[tilespmem:$0x1FB70] =	vst v18;
	v11 =	vld [tilespmem:$0x1FF90]  }
0x1ac: {  	v18 =	vmul.f32 v54, v4;
	v34 =	vmul.f32 v29, v4;
	v46 =	vld [tilespmem:s29+$0x97A0];
	[tilespmem:s25+$0x11DB0] =	vst v30  }
0x1ad: {  	v17 =	vmul.f32 v17, v2;
	v4 =	vmul.f32 v8, v4;
	v8 =	vld [tilespmem:s29+$0x97B0];
	[tilespmem:s25+$0x11DA0] =	vst v33  }
0x1ae: {  	v25 =	vmul.f32 v25, v2;
	v54 =	vld [tilespmem:s29+$0x97C0];
	[tilespmem:s25+$0x11D90] =	vst v3;
	v2 =	vmul.f32 v28, v2  }
0x1af: {  	v3 =	vld [tilespmem:s29+$0x97D0];
	[tilespmem:s25+$0x11D80] =	vst v0  }
0x1b0: {  	v29 =	vld [tilespmem:$0x1FE30];
	[tilespmem:$0x1FBA0] =	vst v2  }
0x1b1: {  	v2 =	vld [tilespmem:s29+$0x97E0];
	[tilespmem:s25+$0x11D70] =	vst v6  }
0x1b2: {  	v6 =	vld [tilespmem:s29+$0x97F0];
	[tilespmem:s25+$0x11D40] =	vst v20  }
0x1b3: {  	v0 =	vld.msk [tilespmem:s29+$0x180], $0x1;
	[tilespmem:s25+$0x11D30] =	vst v9  }
0x1b4: {  	v9 =	vld.msk [tilespmem:s29+$0x200], $0x1;
	[tilespmem:s25+$0x11D20] =	vst v1  }
0x1b5: {  	v1 =	vld.msk [tilespmem:s29+$0x280], $0x1;
	[tilespmem:s25+$0x11D10] =	vst v23  }
0x1b6: {  	v20 =	vld.msk [tilespmem:s29+$0x300], $0x1;
	[tilespmem:s25+$0x11D00] =	vst v57  }
0x1b7: {  	v23 =	vld.msk [tilespmem:s29+$0x380], $0x1;
	[tilespmem:s25+$0x11CF0] =	vst v13  }
0x1b8: {  	v13 =	vld.msk [tilespmem:s29+$0x400], $0x1;
	[tilespmem:s25+$0x11CC0] =	vst v7  }
0x1b9: {  	v7 =	vld.msk [tilespmem:s29+$0x480], $0x1;
	[tilespmem:s25+$0x11CB0] =	vst v15  }
0x1ba: {  	v15 =	vld.msk [tilespmem:s29+$0x500], $0x1;
	[tilespmem:s25+$0x11CA0] =	vst v10  }
0x1bb: {  	v10 =	vld.msk [tilespmem:s29+$0x580], $0x1;
	[tilespmem:s25+$0x11C90] =	vst v14  }
0x1bc: {  	v14 =	vld.msk [tilespmem:s29+$0x600], $0x1;
	[tilespmem:s25+$0x11C80] =	vst v12  }
0x1bd: {  	v11 =	vmul.f32 v11, v53;
	v12 =	vld [tilespmem:s29+$0x9800];
	[tilespmem:s25+$0x11C70] =	vst v16  }
0x1be: {  	v16 =	vld [tilespmem:s29+$0x9810]  }
0x1bf: {  	[tilespmem:s25+$0x11C40] =	vst v11;
	v11 =	vld [tilespmem:$0x1FA50]  }
0x1c0: {  	v44 =	vimm.s32 $0x0;
	v57 =	vld [tilespmem:s29+$0x9820];
	[tilespmem:s25+$0x11C30] =	vst v19  }
0x1c1: {  	v28 =	vperm.xlane v0, v44;
	v0 =	vperm.xlane v13, v44;
	v13 =	vld [tilespmem:s29+$0x9830];
	[tilespmem:s25+$0x11C20] =	vst v17  }
0x1c2: {  	v30 =	vperm.xlane v23, v44;
	v23 =	vperm.xlane v7, v44;
	v7 =	vld [tilespmem:s29+$0x9840];
	[tilespmem:s25+$0x11C10] =	vst v21  }
0x1c3: {  	v51 =	vperm.xlane v10, v44;
	v10 =	vld [tilespmem:s29+$0x9850];
	[tilespmem:s25+$0x11C00] =	vst v18  }
0x1c4: {  	v29 =	vmul.f32 v29, v53;
	v53 =	vperm.xlane v14, v44;
	v14 =	vld [tilespmem:s29+$0x9860]  }
0x1c5: {  	v33 =	vmul.f32 v28, v11;
	v11 =	vld [tilespmem:$0x1FA60]  }
0x1c6: {  	[tilespmem:s25+$0x11BF0] =	vst v24;
	v24 =	vld [tilespmem:$0x1FA90]  }
0x1c7: {  	v55 =	vperm.xlane v15, v44;
	v15 =	vld [tilespmem:s29+$0x9870];
	[tilespmem:s25+$0x11BC0] =	vst v58  }
0x1c8: {  	v17 =	vld [tilespmem:s29+$0x9880]  }
0x1c9: {  	[tilespmem:s25+$0x11BB0] =	vst v26;
	v26 =	vld [tilespmem:$0x1FAD0]  }
0x1ca: {  	v18 =	vld [tilespmem:s29+$0x9890]  }
0x1cb: {  	[tilespmem:s25+$0x11BA0] =	vst v25;
	v25 =	vld [tilespmem:$0x1FAB0]  }
0x1cc: {  	v9 =	vperm.xlane v9, v44;
	_ =	sdelay $0x1  }
0x1cd: {  	v58 =	vld [tilespmem:$0x1FA80];
	v24 =	vmul.f32 v9, v24  }
0x1ce: {  	v21 =	vmul.f32 v28, v11;
	v11 =	vld [tilespmem:$0x1FA70];
	v26 =	vmul.f32 v9, v26  }
0x1cf: {  	[tilespmem:$0x1FC70] =	vst v24;
	v24 =	vld [tilespmem:$0x1FAA0];
	v25 =	vmul.f32 v9, v25  }
0x1d0: {  	[tilespmem:$0x1FCE0] =	vst v26;
	v26 =	vld [tilespmem:$0x1FAE0]  }
0x1d1: {  	[tilespmem:$0x1FCB0] =	vst v25;
	v25 =	vld [tilespmem:$0x1FAC0];
	_ =	sdelay $0x2  }
0x1d2: {  	v19 =	vmul.f32 v9, v58  }
0x1d3: {  	v11 =	vmul.f32 v9, v11;
	v24 =	vmul.f32 v9, v24  }
0x1d4: {  	v25 =	vmul.f32 v9, v25;
	v9 =	vmul.f32 v9, v26;
	_ =	sdelay $0x1  }
0x1d5: {  	[tilespmem:$0x1FD00] =	vst v9;
	v9 =	vld [tilespmem:$0x1FAF0];
	_ =	sdelay $0x2  }
0x1d6: {  	v1 =	vperm.xlane v1, v44;
	_ =	sdelay $0x1  }
0x1d7: {  	v9 =	vmul.f32 v1, v9;
	_ =	sdelay $0x1  }
0x1d8: {  	[tilespmem:$0x1FD20] =	vst v9;
	v9 =	vld [tilespmem:$0x1FB00];
	_ =	sdelay $0x4  }
0x1d9: {  	v9 =	vmul.f32 v1, v9;
	_ =	sdelay $0x1  }
0x1da: {  	[tilespmem:$0x1FD40] =	vst v9;
	v9 =	vld [tilespmem:$0x1FB10];
	_ =	sdelay $0x4  }
0x1db: {  	v9 =	vmul.f32 v1, v9;
	_ =	sdelay $0x1  }
0x1dc: {  	[tilespmem:$0x1FD60] =	vst v9;
	v9 =	vld [tilespmem:$0x1FB20];
	_ =	sdelay $0x4  }
0x1dd: {  	v9 =	vmul.f32 v1, v9;
	_ =	sdelay $0x1  }
0x1de: {  	[tilespmem:$0x1FD80] =	vst v9;
	v9 =	vld [tilespmem:$0x1FB30];
	_ =	sdelay $0x4  }
0x1df: {  	v9 =	vmul.f32 v1, v9;
	_ =	sdelay $0x1  }
0x1e0: {  	[tilespmem:$0x1FDA0] =	vst v9;
	v9 =	vld [tilespmem:$0x1FB40];
	_ =	sdelay $0x3  }
0x1e1: {  	[tilespmem:$0x1FC50] =	vst v19;
	v19 =	vld [tilespmem:s29+$0x98A0]  }
0x1e2: {  	[tilespmem:s25+$0x11B90] =	vst v27;
	v27 =	vmul.f32 v1, v9;
	v9 =	vld [tilespmem:$0x1FB50];
	_ =	sdelay $0x4  }
0x1e3: {  	v40 =	vmul.f32 v1, v40;
	v1 =	vmul.f32 v1, v9;
	_ =	sdelay $0x1  }
0x1e4: {  	[tilespmem:$0x1FDC0] =	vst v1;
	v1 =	vld [tilespmem:$0x1FB60];
	_ =	sdelay $0x2  }
0x1e5: {  	v20 =	vperm.xlane v20, v44;
	_ =	sdelay $0x1  }
0x1e6: {  	v1 =	vmul.f32 v20, v1;
	_ =	sdelay $0x1  }
0x1e7: {  	[tilespmem:$0x1FDE0] =	vst v1;
	v1 =	vld [tilespmem:$0x1FB70];
	_ =	sdelay $0x3  }
0x1e8: {  	[tilespmem:$0x1FBB0] =	vst v5  }
0x1e9: {  	[tilespmem:$0x1FC90] =	vst v24;
	v1 =	vmul.f32 v20, v1  }
0x1ea: {  	v24 =	vld [tilespmem:s29+$0x98B0];
	[tilespmem:s25+$0x11B80] =	vst v34  }
0x1eb: {  	[tilespmem:$0x1FE00] =	vst v1;
	v1 =	vmul.f32 v20, v63  }
0x1ec: {  	[tilespmem:$0x1FCD0] =	vst v25  }
0x1ed: {  	v5 =	vld [tilespmem:$0x1FA30];
	[tilespmem:$0x1FE10] =	vst v1;
	v1 =	vmul.f32 v20, v60  }
0x1ee: {  	v25 =	vld [tilespmem:s29+$0x98C0];
	[tilespmem:s25+$0x11B70] =	vst v31  }
0x1ef: {  	[tilespmem:$0x1FE30] =	vst v1;
	v1 =	vmul.f32 v20, v59  }
0x1f0: {  	v26 =	vld [tilespmem:s29+$0x98D0];
	[tilespmem:s25+$0x11B40] =	vst v29  }
0x1f1: {  	[tilespmem:$0x1FE50] =	vst v1;
	v1 =	vmul.f32 v30, v43  }
0x1f2: {  	v29 =	vld [tilespmem:s29+$0x98E0];
	[tilespmem:s25+$0x11B30] =	vst v35  }
0x1f3: {  	v44 =	vmul.f32 v28, v5;
	v5 =	vld [tilespmem:$0x1FA40];
	[tilespmem:$0x1FE70] =	vst v1;
	v1 =	vmul.f32 v30, v22  }
0x1f4: {  	v31 =	vld [tilespmem:s29+$0x98F0];
	[tilespmem:s25+$0x11B20] =	vst v32  }
0x1f5: {  	[tilespmem:$0x1FE90] =	vst v1;
	v1 =	vmul.f32 v30, v46  }
0x1f6: {  	v47 =	vmul.f32 v28, v47;
	v45 =	vmul.f32 v28, v45;
	v32 =	vld [tilespmem:s29+$0x9900];
	[tilespmem:s25+$0x11B10] =	vst v37  }
0x1f7: {  	v42 =	vmul.f32 v28, v42;
	[tilespmem:$0x1FEB0] =	vst v1;
	v1 =	vmul.f32 v30, v8  }
0x1f8: {  	v41 =	vmul.f32 v28, v41;
	v5 =	vmul.f32 v28, v5;
	v28 =	vld [tilespmem:s29+$0x9910];
	[tilespmem:s25+$0x11B00] =	vst v36  }
0x1f9: {  	[tilespmem:$0x1FED0] =	vst v1;
	v1 =	vmul.f32 v30, v54  }
0x1fa: {  	v36 =	vld [tilespmem:s29+$0x9920];
	[tilespmem:s25+$0x11AF0] =	vst v38  }
0x1fb: {  	[tilespmem:$0x1FEF0] =	vst v1;
	v1 =	vmul.f32 v30, v6  }
0x1fc: {  	v37 =	vld [tilespmem:s29+$0x9930];
	[tilespmem:s25+$0x11AC0] =	vst v56  }
0x1fd: {  	[tilespmem:$0x1FF20] =	vst v1;
	v1 =	vld [tilespmem:$0x1FB80]  }
0x1fe: {  	v49 =	vmul.f32 v20, v49;
	v58 =	vld [tilespmem:s29+$0x9940];
	[tilespmem:s25+$0x11AB0] =	vst v39  }
0x1ff: {  	v52 =	vmul.f32 v20, v52;
	v35 =	vmul.f32 v20, v61;
	v20 =	vld [tilespmem:s29+$0x9950];
	[tilespmem:s25+$0x11AA0] =	vst v50  }
0x200: {  	v63 =	vld [tilespmem:s29+$0x9960];
	[tilespmem:s25+$0x11A90] =	vst v48  }
0x201: {  	v61 =	vld [tilespmem:s29+$0x9970];
	[tilespmem:s25+$0x11A80] =	vst v4  }
0x202: {  	v34 =	vld [tilespmem:s29+$0x9980];
	[tilespmem:s25+$0x11A70] =	vst v1;
	v1 =	vmul.f32 v0, v12;
	_ =	sdelay $0x1  }
0x203: {  	[tilespmem:$0x1FF40] =	vst v1;
	v1 =	vmul.f32 v0, v16;
	_ =	sdelay $0x1  }
0x204: {  	[tilespmem:$0x1FF60] =	vst v1;
	v1 =	vmul.f32 v0, v57;
	_ =	sdelay $0x1  }
0x205: {  	[tilespmem:$0x1FF70] =	vst v1;
	v1 =	vmul.f32 v0, v13;
	_ =	sdelay $0x1  }
0x206: {  	[tilespmem:$0x1FF80] =	vst v1;
	v1 =	vld [tilespmem:$0x1FB90]  }
0x207: {  	v59 =	vmul.f32 v30, v3;
	v3 =	vld [tilespmem:$0x1FBA0];
	_ =	sdelay $0x2  }
0x208: {  	v60 =	vmul.f32 v30, v2;
	v2 =	vld [tilespmem:s29+$0x9990];
	[tilespmem:s25+$0x11A40] =	vst v62  }
0x209: {  	v4 =	vld [tilespmem:s29+$0x99A0];
	[tilespmem:s25+$0x11A30] =	vst v1;
	v1 =	vmul.f32 v0, v7  }
0x20a: {  	v62 =	vld [tilespmem:s29+$0x99B0];
	[tilespmem:s25+$0x11A20] =	vst v3;
	v3 =	vmul.f32 v0, v14  }
0x20b: {  	[tilespmem:$0x1FF90] =	vst v1;
	v1 =	vmul.f32 v0, v10;
	v0 =	vmul.f32 v0, v15;
	_ =	sdelay $0x1  }
0x20c: {  	[tilespmem:$0x1FFA0] =	vst v0;
	v0 =	vld [tilespmem:$0x1FBB0];
	_ =	sdelay $0x4  }
0x20d: {  	v7 =	vld [tilespmem:s29+$0x99C0];
	[tilespmem:s25+$0x11A10] =	vst v0;
	s25 =	smov.u32 s29  }
0x20e: {  	v38 =	vmul.f32 v23, v19;
	v56 =	vmul.f32 v55, v36;
	v14 =	vld [tilespmem:s25+$0x99D0]  }
0x20f: {  	p0 =	sne.s32 s28, $0x1F400;
	v58 =	vmul.f32 v55, v58;
	v50 =	vmul.f32 v55, v32;
	v15 =	vld [tilespmem:s25+$0x99E0]  }
.Ltmp0:
0x210: {  	v48 =	vmul.f32 v23, v31;
	v0 =	vmul.f32 v23, v17;
	v9 =	vld [tilespmem:s25+$0x99F0];
	(pc) =	sbr.rel @p0 .LBB2_3-.Ltmp0, $4  }
0x211: {  	v43 =	vmul.f32 v23, v24;
	v46 =	vmul.f32 v23, v25;
	v10 =	vld [tilespmem:s25+$0x9A00]  }
0x212: {  	v8 =	vmul.f32 v23, v29;
	v12 =	vld [tilespmem:s25+$0x9A20];
	[tilespmem:$0x1FFB0] =	vst v0;
	v0 =	vmul.f32 v23, v18  }
0x213: {  	v54 =	vmul.f32 v55, v28;
	v28 =	vmov v5;
	v6 =	vmul.f32 v23, v26;
	v5 =	vld [tilespmem:s25+$0x9A30]  }
0x214: {  	s28 =	sadd.s32 $0x1400, s28;
	v57 =	vmul.f32 v55, v37;
	v23 =	vmul.f32 v55, v20;
	[tilespmem:$0x1FFC0] =	vst v0;
	v0 =	vld [tilespmem:s25+$0x9A10]  }
0x215: {  	v13 =	vld [tilespmem:s25+$0x9A70];
	s26 =	sadd.s32 $0x80, s26  }
0x216: {  	v31 =	vld [tilespmem:s26+$0xFFFFFFC0]  }
0x217: {  	v25 =	vld [tilespmem:s26+$0xFFFFFFD0]  }
0x218: {  	v26 =	vld [tilespmem:s26+$0xFFFFFFE0]  }
0x219: {  	v30 =	vld [tilespmem:s26+$0xFFFFFFF0]  }
0x21a: {  	v24 =	vld [tilespmem:s26+$0x20]  }
0x21b: {  	v29 =	vld [tilespmem:s26+$0x30];
	v22 =	vmul.f32 v47, v31  }
0x21c: {  	v20 =	vld [tilespmem:s26+$0x10];
	v37 =	vmul.f32 v44, v25  }
0x21d: {  	v19 =	vmul.f32 v53, v13;
	v13 =	vld [tilespmem:s26+$0x0];
	v39 =	vmul.f32 v45, v26;
	[tilespmem:s25+$0x11980] =	vst v22  }
0x21e: {  	v15 =	vmul.f32 v51, v15;
	v42 =	vmul.f32 v42, v30;
	[tilespmem:s25+$0x11990] =	vst v37  }
0x21f: {  	v14 =	vmul.f32 v51, v14;
	v45 =	vmul.f32 v33, v24;
	[tilespmem:s25+$0x119A0] =	vst v39  }
0x220: {  	v15 =	vmul.f32 v15, v24;
	[tilespmem:s25+$0x119B0] =	vst v42  }
0x221: {  	v14 =	vmul.f32 v14, v20;
	[tilespmem:s25+$0x119E0] =	vst v45  }
0x222: {  	v8 =	vmul.f32 v8, v24;
	[tilespmem:s25+$0x11DE0] =	vst v15  }
0x223: {  	v6 =	vmul.f32 v6, v20;
	[tilespmem:s25+$0x11DD0] =	vst v14  }
0x224: {  	v17 =	vld [tilespmem:s25+$0x9A50];
	v3 =	vmul.f32 v3, v24;
	[tilespmem:s25+$0x11CE0] =	vst v8  }
0x225: {  	v1 =	vmul.f32 v1, v20;
	[tilespmem:s25+$0x11CD0] =	vst v6  }
0x226: {  	v18 =	vld [tilespmem:s25+$0x9A60];
	v32 =	vmul.f32 v52, v24;
	[tilespmem:s25+$0x11C60] =	vst v3  }
0x227: {  	v0 =	vmul.f32 v53, v0;
	v33 =	vmul.f32 v49, v20;
	[tilespmem:s25+$0x11C50] =	vst v1  }
0x228: {  	v4 =	vmul.f32 v51, v4;
	v36 =	vmul.f32 v40, v24;
	[tilespmem:s25+$0x11B60] =	vst v32  }
0x229: {  	v17 =	vmul.f32 v53, v17;
	v0 =	vmul.f32 v0, v25;
	[tilespmem:s25+$0x11B50] =	vst v33  }
0x22a: {  	v49 =	vmul.f32 v53, v12;
	v12 =	vmul.f32 v4, v26;
	[tilespmem:s25+$0x11AE0] =	vst v36  }
0x22b: {  	v16 =	vld [tilespmem:s25+$0x9A40];
	v18 =	vmul.f32 v53, v18;
	v19 =	vmul.f32 v19, v29;
	[tilespmem:s25+$0x11E10] =	vst v0  }
0x22c: {  	v63 =	vmul.f32 v55, v63;
	v17 =	vmul.f32 v17, v20;
	[tilespmem:s25+$0x11DA0] =	vst v12  }
0x22d: {  	v47 =	vmul.f32 v18, v24;
	[tilespmem:s25+$0x11E70] =	vst v19  }
0x22e: {  	v62 =	vmul.f32 v51, v62;
	v18 =	vmul.f32 v63, v24;
	[tilespmem:s25+$0x11E50] =	vst v17  }
0x22f: {  	v52 =	vmul.f32 v53, v10;
	v22 =	vmul.f32 v60, v24;
	[tilespmem:s25+$0x11E60] =	vst v47  }
0x230: {  	v37 =	vmul.f32 v27, v20;
	v42 =	vmul.f32 v53, v16;
	[tilespmem:s25+$0x11D60] =	vst v18  }
0x231: {  	v45 =	vmul.f32 v53, v5;
	v53 =	vmul.f32 v49, v26;
	[tilespmem:s25+$0x11BE0] =	vst v22  }
0x232: {  	v2 =	vmul.f32 v51, v2;
	v5 =	vmul.f32 v52, v31;
	[tilespmem:s25+$0x11AD0] =	vst v37  }
0x233: {  	v0 =	vmul.f32 v62, v30;
	[tilespmem:s25+$0x11E20] =	vst v53  }
0x234: {  	v15 =	vmul.f32 v2, v25;
	[tilespmem:s25+$0x11E00] =	vst v5  }
0x235: {  	v27 =	vmul.f32 v43, v30;
	[tilespmem:s25+$0x11DB0] =	vst v0  }
0x236: {  	v49 =	vmul.f32 v35, v30;
	[tilespmem:s25+$0x11D90] =	vst v15  }
0x237: {  	v19 =	vmul.f32 v23, v20;
	[tilespmem:s25+$0x11CB0] =	vst v27  }
0x238: {  	v63 =	vmul.f32 v51, v34;
	v23 =	vmul.f32 v59, v20;
	[tilespmem:s25+$0x11B30] =	vst v49  }
0x239: {  	v47 =	vmul.f32 v21, v29;
	[tilespmem:s25+$0x11D50] =	vst v19  }
0x23a: {  	v16 =	vmul.f32 v63, v31;
	[tilespmem:s25+$0x11BD0] =	vst v23  }
0x23b: {  	v21 =	vmul.f32 v54, v25;
	[tilespmem:s25+$0x119F0] =	vst v47  }
0x23c: {  	v44 =	vmul.f32 v41, v13;
	[tilespmem:s25+$0x11D80] =	vst v16  }
0x23d: {  	v14 =	vmul.f32 v55, v61;
	v41 =	vmul.f32 v28, v20;
	[tilespmem:s25+$0x11D10] =	vst v21  }
0x23e: {  	v40 =	vld [tilespmem:$0x1FCD0];
	v3 =	vmul.f32 v45, v30;
	[tilespmem:s25+$0x119C0] =	vst v44  }
0x23f: {  	v17 =	vmul.f32 v14, v29;
	[tilespmem:s25+$0x119D0] =	vst v41  }
0x240: {  	v18 =	vmul.f32 v58, v13;
	[tilespmem:s25+$0x11E30] =	vst v3  }
0x241: {  	v22 =	vmul.f32 v50, v31;
	[tilespmem:s25+$0x11D70] =	vst v17  }
0x242: {  	v28 =	vmul.f32 v38, v26;
	[tilespmem:s25+$0x11D40] =	vst v18  }
0x243: {  	v1 =	vmul.f32 v40, v20;
	[tilespmem:s25+$0x11D00] =	vst v22  }
0x244: {  	v39 =	vld [tilespmem:$0x1FCE0];
	v19 =	vmul.f32 v57, v30;
	[tilespmem:s25+$0x11CA0] =	vst v28  }
0x245: {  	v20 =	vmul.f32 v56, v26;
	[tilespmem:s25+$0x11A50] =	vst v1  }
0x246: {  	v59 =	vmul.f32 v51, v9;
	v23 =	vmul.f32 v48, v29;
	[tilespmem:s25+$0x11D30] =	vst v19  }
0x247: {  	v32 =	vld [tilespmem:$0x1FFC0];
	v44 =	vmul.f32 v11, v31;
	[tilespmem:s25+$0x11D20] =	vst v20  }
0x248: {  	v3 =	vmul.f32 v59, v29;
	[tilespmem:s25+$0x11CF0] =	vst v23  }
0x249: {  	v34 =	vld [tilespmem:$0x1FFA0];
	v6 =	vmul.f32 v39, v24;
	[tilespmem:s25+$0x11A00] =	vst v44  }
0x24a: {  	v58 =	vld [tilespmem:$0x1FD20];
	v1 =	vmul.f32 v42, v13;
	[tilespmem:s25+$0x11DF0] =	vst v3  }
0x24b: {  	v60 =	vmul.f32 v51, v7;
	v33 =	vld [tilespmem:$0x1FFB0];
	v24 =	vmul.f32 v46, v13;
	[tilespmem:s25+$0x11A60] =	vst v6  }
0x24c: {  	v37 =	vld [tilespmem:$0x1FF80];
	v0 =	vmul.f32 v32, v25;
	[tilespmem:s25+$0x11E40] =	vst v1  }
0x24d: {  	v36 =	vld [tilespmem:$0x1FF90];
	v1 =	vmul.f32 v60, v13;
	[tilespmem:s25+$0x11CC0] =	vst v24  }
0x24e: {  	v61 =	vld [tilespmem:$0x1FC90];
	[tilespmem:s25+$0x11C90] =	vst v0;
	v0 =	vmul.f32 v34, v29  }
0x24f: {  	v38 =	vld [tilespmem:$0x1FF70];
	v2 =	vmul.f32 v58, v31;
	[tilespmem:s25+$0x11DC0] =	vst v1  }
0x250: {  	v39 =	vld [tilespmem:$0x1FF60];
	v1 =	vmul.f32 v33, v31;
	[tilespmem:s25+$0x11C70] =	vst v0  }
0x251: {  	v40 =	vld [tilespmem:$0x1FF40];
	v0 =	vmul.f32 v37, v30;
	[tilespmem:s25+$0x11A80] =	vst v2  }
0x252: {  	v41 =	vld [tilespmem:$0x1FF20];
	[tilespmem:s25+$0x11C80] =	vst v1;
	v1 =	vmul.f32 v36, v13  }
0x253: {  	v42 =	vld [tilespmem:$0x1FEF0];
	v2 =	vmul.f32 v61, v30;
	[tilespmem:s25+$0x11C30] =	vst v0  }
0x254: {  	v43 =	vld [tilespmem:$0x1FED0];
	[tilespmem:s25+$0x11C40] =	vst v1;
	v1 =	vmul.f32 v38, v26  }
0x255: {  	v44 =	vld [tilespmem:$0x1FEB0];
	v0 =	vmul.f32 v39, v25;
	[tilespmem:s25+$0x11A30] =	vst v2  }
0x256: {  	v45 =	vld [tilespmem:$0x1FE90];
	[tilespmem:s25+$0x11C20] =	vst v1;
	v1 =	vmul.f32 v40, v31  }
0x257: {  	v46 =	vld [tilespmem:$0x1FE70];
	[tilespmem:s25+$0x11C10] =	vst v0;
	v0 =	vmul.f32 v41, v29  }
0x258: {  	v47 =	vld [tilespmem:$0x1FE50];
	[tilespmem:s25+$0x11C00] =	vst v1;
	v1 =	vmul.f32 v42, v13  }
0x259: {  	v48 =	vld [tilespmem:$0x1FE30];
	[tilespmem:s25+$0x11BF0] =	vst v0;
	v0 =	vmul.f32 v43, v30  }
0x25a: {  	v51 =	vld [tilespmem:$0x1FE00];
	[tilespmem:s25+$0x11BC0] =	vst v1;
	v1 =	vmul.f32 v44, v26  }
0x25b: {  	v50 =	vld [tilespmem:$0x1FE10];
	[tilespmem:s25+$0x11BB0] =	vst v0;
	v0 =	vmul.f32 v45, v25  }
0x25c: {  	v53 =	vld [tilespmem:$0x1FDC0];
	[tilespmem:s25+$0x11BA0] =	vst v1;
	v1 =	vmul.f32 v46, v31  }
0x25d: {  	v52 =	vld [tilespmem:$0x1FDE0];
	[tilespmem:s25+$0x11B90] =	vst v0;
	v0 =	vmul.f32 v47, v29  }
0x25e: {  	v55 =	vld [tilespmem:$0x1FD80];
	[tilespmem:s25+$0x11B80] =	vst v1;
	v1 =	vmul.f32 v48, v13  }
0x25f: {  	v54 =	vld [tilespmem:$0x1FDA0];
	[tilespmem:s25+$0x11B70] =	vst v0;
	v0 =	vmul.f32 v51, v25  }
0x260: {  	v57 =	vld [tilespmem:$0x1FD40];
	[tilespmem:s25+$0x11B40] =	vst v1;
	v1 =	vmul.f32 v50, v26  }
0x261: {  	v56 =	vld [tilespmem:$0x1FD60];
	[tilespmem:s25+$0x11B10] =	vst v0;
	v0 =	vmul.f32 v53, v29  }
0x262: {  	v60 =	vld [tilespmem:$0x1FCB0];
	[tilespmem:s25+$0x11B20] =	vst v1;
	v1 =	vmul.f32 v52, v31  }
0x263: {  	v59 =	vld [tilespmem:$0x1FD00];
	[tilespmem:s25+$0x11AF0] =	vst v0;
	v0 =	vmul.f32 v55, v30  }
0x264: {  	v63 =	vld [tilespmem:$0x1FC50];
	[tilespmem:s25+$0x11B00] =	vst v1;
	v1 =	vmul.f32 v54, v13  }
0x265: {  	v62 =	vld [tilespmem:$0x1FC70];
	[tilespmem:s25+$0x11AB0] =	vst v0;
	v0 =	vmul.f32 v57, v25  }
0x266: {  	[tilespmem:s25+$0x11AC0] =	vst v1;
	v1 =	vmul.f32 v56, v26  }
0x267: {  	[tilespmem:s25+$0x11A90] =	vst v0;
	v0 =	vmul.f32 v60, v13  }
0x268: {  	[tilespmem:s25+$0x11AA0] =	vst v1;
	v1 =	vmul.f32 v59, v29  }
0x269: {  	[tilespmem:s25+$0x11A40] =	vst v0;
	v0 =	vmul.f32 v63, v25  }
0x26a: {  	s23 =	sadd.s32 $0x1, s23;
	[tilespmem:s25+$0x11A70] =	vst v1;
	v1 =	vmul.f32 v62, v26  }
0x26b: {  	p0 =	sne.s32 s23, $0x20;
	[tilespmem:s25+$0x11A10] =	vst v0  }
.Ltmp1:
0x26c: {  	s24 =	sadd.s32 s7, s24;
	[tilespmem:s25+$0x11A20] =	vst v1;
	(pc) =	sbr.rel @p0 .LBB2_2-.Ltmp1, $4  }
0x26d: {  	[hbm4b:s24+s2] =	stream.linear.scatter [tilespmem:s21], [sflag:$0x2], $0x8200, $0x38;
	[tilespmem:$0x19D80] =	vst v63  }
0x26e: {  	_ =	swait.ge [sflag:s12], $0x8200  }
0x26f: {  	[sflag:s12] =	ssyncset.done $0x0  }
0x270: {  	v11 =	vimm.s32 $0x0;
	[sflag:s12] =	ssyncadd.s32 $0xFFFF7E00  }
0x271: {  	s22 =	sadd.s32 $0x1, s22  }
0x272: {  	p0 =	sne.s32 s22, s9  }
.Ltmp2:
0x273: {  	_ = 	snop;
	(pc) =	sbr.rel @p0 .LBB2_1-.Ltmp2, $1  }
0x274: {  	_ =	sdelay $0x3  }
0x275: {  	_ =	sfence.sel $0x180000  }
0x276: {  	[bflag:$0x0] =	sbarrier.arrive $0xFFFF  }
0x277: {  	p0 =	sne.s32 s4, $0x0;
	_ =	strace $0x90000047  }
0x278: {  	s0 =	sadd.s32 @!p0 $0x100000, s0;
	[bflag:$0x2] =	sbarrier.arrive $0xFFFF  }
0x279: {  	[sflag:s0] =	ssyncadd.tile.s32 @!p0 $0x1;
	_ =	shalt  }
.Lfunc_end2:
_tile_overlayer_lowered:
.L_overlay_start_2:
0x27a: {  	(tag) =	ssettag $0x2  }
0x27b: {  	s0 =	rddreg [dreg:$0x0];
	s2 =	stileid.u32  }
0x27c: {  	s1 =	rddreg [dreg:$0x1];
	p0 =	sne.s32 s2, $0x0  }
0x27d: {  	s3 =	rddreg [dreg:$0x2];
	[bflag:$0x3] =	sbarrier.arrive $0xFFFF;
	s2 =	simm.s32 @!p0 $0x1C02  }
0x27e: {  	[timem:s3], [sflag:s2] =	dma.local @!p0 [hbm:s0], s1  }
0x27f: {  	s0 =	simm.s32 @!p0 $0x2  }
0x280: {  	_ =	swait.ge @!p0 [sflag:s0], s1  }
0x281: {  	s1 =	ssub.s32 @!p0 $0x0, s1;
	[sflag:s0] =	ssyncset.done @!p0 $0x0  }
0x282: {  	[sflag:s0] =	ssyncadd.s32 @!p0 s1  }
0x283: {  	[bflag:$0x3] =	sbarrier.arrive $0xFFFF  }
0x284: {  	_ =	shalt  }

</sc_bundles>
